<compile_context>
chip_gen: v7x
topology: tpu7x:2x2x1
jax: 0.10.2.dev20260603
libtpu: 0.0.44.dev20260713+nightly
codegen_flags: <defaults>
</compile_context>

<pallas_src>
import jax
import jax.numpy as jnp
from jax import lax
from jax.experimental import pallas as pl
from jax.experimental.pallas import tpu as pltpu
from jax.experimental.pallas import tpu_sc as plsc

M = 4096
NC, NS, L = 2, 16, 16
NW = NC * NS
NBT = M // 8
BANDS_PER_W = NBT // NW


def _body(x_hbm, out_hbm, x_v, y_v, band0, band1, sem0, sem1):
    c = lax.axis_index("c")
    s = lax.axis_index("s")
    wid = s * NC + c

    pltpu.sync_copy(x_hbm, x_v)

    @plsc.parallel_loop(0, M, L)
    def build(tt):
        v = x_v[pl.ds(tt, L)]
        t = tt + lax.iota(jnp.int32, L)
        plsc.store_scatter(y_v, [(M - 1) + t], v)
        plsc.store_scatter(y_v, [(M - 1) - t], v)

    def fill(band, it):
        base = (M - 1) - 8 * it

        @plsc.parallel_loop(0, M, L, unroll=8)
        def chunk(j):
            for sub in range(8):
                band[sub, pl.ds(j, L)] = y_v[pl.ds((base - sub) + j, L)]

    it0 = wid * BANDS_PER_W

    def emit(band, it, sem):
        fill(band, it)
        pltpu.async_copy(band, out_hbm.at[pl.ds(8 * it, 8), :], sem)

    def drain(band, sem):
        pltpu.make_async_copy(band, out_hbm.at[pl.ds(0, 8), :], sem).wait()

    emit(band0, it0, sem0)

    def bands(k, _):
        it = it0 + 2 * k + 1
        emit(band1, it, sem1)
        drain(band0, sem0)
        emit(band0, it + 1, sem0)
        drain(band1, sem1)
        return 0

    lax.fori_loop(0, (BANDS_PER_W - 2) // 2, bands, 0)

    emit(band1, it0 + BANDS_PER_W - 1, sem1)
    drain(band0, sem0)
    drain(band1, sem1)


_mesh = plsc.VectorSubcoreMesh(core_axis_name="c", subcore_axis_name="s")

_toeplitz = pl.kernel(
    _body,
    out_type=jax.ShapeDtypeStruct((M, M), jnp.float32),
    mesh=_mesh,
    compiler_params=pltpu.CompilerParams(
        needs_layout_passes=False, use_tc_tiling_on_sc=True
    ),
    scratch_types=[
        pltpu.VMEM((M,), jnp.float32),
        pltpu.VMEM((2 * M,), jnp.float32),
        pltpu.VMEM((8, M), jnp.float32),
        pltpu.VMEM((8, M), jnp.float32),
        pltpu.SemaphoreType.DMA,
        pltpu.SemaphoreType.DMA,
    ],
)


@jax.jit
def kernel(input):
    out = _toeplitz(input.reshape(M).astype(jnp.float32))
    return out[None, :, :]

# --- scband reference (transcript-rebuilt; emitter-appended) ---
"""Pipeline reference for scband-fill-diagonals-from-array-25417616458409 (READ-ONLY COPY).

The authoritative reference and input builder live on the scoring server;
editing this copy changes nothing except your own understanding.
"""

import jax, jax.numpy as jnp
import numpy as np

M = 4096

def setup_inputs(seed: int = 0) -> dict:
    key = jax.random.key(seed)
    x = jax.random.normal(key, (M,), dtype=jnp.float32)
    return {"input": x}

def reference(input):
    # N == 1 path of FillDiagonalsFromArray: Output[i, j] = input[j - i] for j >= i,
    # then symmetrized so Output[i, j] = input[|i - j|].
    x = input.reshape(-1)
    m = x.shape[0]
    rows_np, cols_np = np.triu_indices(m)
    rows = jnp.asarray(rows_np.astype(np.int32))
    cols = jnp.asarray(cols_np.astype(np.int32))
    # flattened = concat([input[0:l] for l in m..1]) laid out over triu indices
    # is exactly input[cols - rows] (gather), same values, same order.
    flattened = x[cols - rows]
    output = jnp.zeros((m, m), dtype=jnp.float32)
    output = output.at[rows, cols].set(flattened)
    output = output[None, :, :]
    output = output + jnp.transpose(jnp.triu(output, k=1), (0, 2, 1))
    return output

if __name__ == "__main__":
    import jax
    _d = setup_inputs()
    print(jax.jit(kernel)(*tuple(_d.values())))

</pallas_src>

<mosaic_0001>
#map = affine_map<(d0, d1) -> (0)>
#map1 = affine_map<(d0, d1) -> (0, 0)>
module attributes {stable_mosaic.version = 14 : i64} {
  func.func @_body(%arg0: i32, %arg1: i32, %arg2: memref<4096xf32, #tpu.memory_space<hbm>>, %arg3: memref<4096x4096xf32, #tpu.memory_space<hbm>>, %arg4: memref<4096xf32, #tpu.memory_space<vmem>>, %arg5: memref<8192xf32, #tpu.memory_space<vmem>>, %arg6: memref<8x4096xf32, #tpu.memory_space<vmem>>, %arg7: memref<8x4096xf32, #tpu.memory_space<vmem>>, %arg8: memref<!tpu.dma_semaphore, #tpu.memory_space<semaphore_mem>>, %arg9: memref<!tpu.dma_semaphore, #tpu.memory_space<semaphore_mem>>) attributes {dimension_semantics = [#tpu.dimension_semantics<core_parallel>, #tpu.dimension_semantics<subcore_parallel>], iteration_bounds = array<i64: 2, 16>, scalar_prefetch = 0 : i64, scratch_operands = 6 : i64, tpu.core_type = #tpu.core_type<sc_vector_subcore>, window_params = [{transform_indices = #map}, {transform_indices = #map1}]} {
    %mul3A = arith.constant 2 : i32
    %mul3A_0 = arith.muli %arg1, %mul3A : i32
    %add3A = arith.addi %mul3A_0, %arg0 : i32
    "tpu.region"() ({
      %run_scoped3A = tpu.sem_alloc : memref<!tpu.dma_semaphore, #tpu.memory_space<semaphore_mem>>
      tpu.enqueue_dma source(%arg2 : memref<4096xf32, #tpu.memory_space<hbm>>) target(%arg4 : memref<4096xf32, #tpu.memory_space<vmem>>) target_semaphore(%run_scoped3A : memref<!tpu.dma_semaphore, #tpu.memory_space<semaphore_mem>>)
      tpu.wait_dma2 semaphore(%run_scoped3A : memref<!tpu.dma_semaphore, #tpu.memory_space<semaphore_mem>>) src(%arg2 : memref<4096xf32, #tpu.memory_space<hbm>>) dst(%arg4 : memref<4096xf32, #tpu.memory_space<vmem>>)
      tpu.yield
    }) : () -> ()
    %parallel_loop3A = arith.constant 0 : i32
    %parallel_loop3A_1 = arith.constant 4096 : i32
    %parallel_loop3A_2 = arith.constant 16 : i32
    scf.for %parallel_loop3A_50 = %parallel_loop3A to %parallel_loop3A_1 step %parallel_loop3A_2  : i32 {
      %parallel_loop3A_51 = arith.index_cast %parallel_loop3A_50 : i32 to index
      %parallel_loop3A_52 = tpu.vector_load %arg4[%parallel_loop3A_51] {strides = array<i32>} : memref<4096xf32, #tpu.memory_space<vmem>>, vector<16xf32>,
      %parallel_loop3A_53 = tpu.iota {dimensions = array<i32: 0>} : vector<16xi32>
      %parallel_loop3A_54 = vector.broadcast %parallel_loop3A_50 : i32 to vector<16xi32>
      %parallel_loop3A_55 = arith.addi %parallel_loop3A_54, %parallel_loop3A_53 : vector<16xi32>
      %parallel_loop3A_56 = arith.constant 4095 : i32
      %parallel_loop3A_57 = vector.broadcast %parallel_loop3A_56 : i32 to vector<16xi32>
      %parallel_loop3A_58 = arith.addi %parallel_loop3A_57, %parallel_loop3A_55 : vector<16xi32>
      tpu.vector_store_idx %arg5[%parallel_loop3A_58], %parallel_loop3A_52 : memref<8192xf32, #tpu.memory_space<vmem>>[vector<16xi32>], vector<16xf32>,
      %parallel_loop3A_59 = arith.constant 4095 : i32
      %parallel_loop3A_60 = vector.broadcast %parallel_loop3A_59 : i32 to vector<16xi32>
      %parallel_loop3A_61 = arith.subi %parallel_loop3A_60, %parallel_loop3A_55 : vector<16xi32>
      tpu.vector_store_idx %arg5[%parallel_loop3A_61], %parallel_loop3A_52 : memref<8192xf32, #tpu.memory_space<vmem>>[vector<16xi32>], vector<16xf32>,
    } {sc.loop_unroll_factor = 1 : i64, sc.parallel_access}
    %mul3A_3 = arith.constant 16 : i32
    %mul3A_4 = arith.muli %add3A, %mul3A_3 : i32
    %mul3A_5 = arith.constant 8 : i32
    %mul3A_6 = arith.muli %mul3A_5, %mul3A_4 : i32
    %sub3A = arith.constant 4095 : i32
    %sub3A_7 = arith.subi %sub3A, %mul3A_6 : i32
    %parallel_loop3A_8 = arith.constant 0 : i32
    %parallel_loop3A_9 = arith.constant 4096 : i32
    %parallel_loop3A_10 = arith.constant 16 : i32
    scf.for %parallel_loop3A_50 = %parallel_loop3A_8 to %parallel_loop3A_9 step %parallel_loop3A_10  : i32 {
      %parallel_loop3A_51 = arith.constant 0 : i32
      %parallel_loop3A_52 = arith.subi %sub3A_7, %parallel_loop3A_51 : i32
      %parallel_loop3A_53 = arith.addi %parallel_loop3A_52, %parallel_loop3A_50 : i32
      %parallel_loop3A_54 = arith.index_cast %parallel_loop3A_53 : i32 to index
      %parallel_loop3A_55 = tpu.vector_load %arg5[%parallel_loop3A_54] {strides = array<i32>} : memref<8192xf32, #tpu.memory_space<vmem>>, vector<16xf32>,
      %parallel_loop3A_56 = arith.constant 0 : i32
      %parallel_loop3A_57 = arith.index_cast %parallel_loop3A_56 : i32 to index
      %parallel_loop3A_58 = arith.index_cast %parallel_loop3A_50 : i32 to index
      %parallel_loop3A_59 = tpu.vector_load %arg6[%parallel_loop3A_57, %parallel_loop3A_58] {strides = array<i32>} : memref<8x4096xf32, #tpu.memory_space<vmem>>, vector<16xf32>,
      tpu.vector_store %arg6[%parallel_loop3A_57, %parallel_loop3A_58], %parallel_loop3A_55 {strides = array<i32>} : memref<8x4096xf32, #tpu.memory_space<vmem>>, vector<16xf32>,
      %parallel_loop3A_60 = arith.constant 1 : i32
      %parallel_loop3A_61 = arith.subi %sub3A_7, %parallel_loop3A_60 : i32
      %parallel_loop3A_62 = arith.addi %parallel_loop3A_61, %parallel_loop3A_50 : i32
      %parallel_loop3A_63 = arith.index_cast %parallel_loop3A_62 : i32 to index
      %parallel_loop3A_64 = tpu.vector_load %arg5[%parallel_loop3A_63] {strides = array<i32>} : memref<8192xf32, #tpu.memory_space<vmem>>, vector<16xf32>,
      %parallel_loop3A_65 = arith.constant 1 : i32
      %parallel_loop3A_66 = arith.index_cast %parallel_loop3A_65 : i32 to index
      %parallel_loop3A_67 = arith.index_cast %parallel_loop3A_50 : i32 to index
      %parallel_loop3A_68 = tpu.vector_load %arg6[%parallel_loop3A_66, %parallel_loop3A_67] {strides = array<i32>} : memref<8x4096xf32, #tpu.memory_space<vmem>>, vector<16xf32>,
      tpu.vector_store %arg6[%parallel_loop3A_66, %parallel_loop3A_67], %parallel_loop3A_64 {strides = array<i32>} : memref<8x4096xf32, #tpu.memory_space<vmem>>, vector<16xf32>,
      %parallel_loop3A_69 = arith.constant 2 : i32
      %parallel_loop3A_70 = arith.subi %sub3A_7, %parallel_loop3A_69 : i32
      %parallel_loop3A_71 = arith.addi %parallel_loop3A_70, %parallel_loop3A_50 : i32
      %parallel_loop3A_72 = arith.index_cast %parallel_loop3A_71 : i32 to index
      %parallel_loop3A_73 = tpu.vector_load %arg5[%parallel_loop3A_72] {strides = array<i32>} : memref<8192xf32, #tpu.memory_space<vmem>>, vector<16xf32>,
      %parallel_loop3A_74 = arith.constant 2 : i32
      %parallel_loop3A_75 = arith.index_cast %parallel_loop3A_74 : i32 to index
      %parallel_loop3A_76 = arith.index_cast %parallel_loop3A_50 : i32 to index
      %parallel_loop3A_77 = tpu.vector_load %arg6[%parallel_loop3A_75, %parallel_loop3A_76] {strides = array<i32>} : memref<8x4096xf32, #tpu.memory_space<vmem>>, vector<16xf32>,
      tpu.vector_store %arg6[%parallel_loop3A_75, %parallel_loop3A_76], %parallel_loop3A_73 {strides = array<i32>} : memref<8x4096xf32, #tpu.memory_space<vmem>>, vector<16xf32>,
      %parallel_loop3A_78 = arith.constant 3 : i32
      %parallel_loop3A_79 = arith.subi %sub3A_7, %parallel_loop3A_78 : i32
      %parallel_loop3A_80 = arith.addi %parallel_loop3A_79, %parallel_loop3A_50 : i32
      %parallel_loop3A_81 = arith.index_cast %parallel_loop3A_80 : i32 to index
      %parallel_loop3A_82 = tpu.vector_load %arg5[%parallel_loop3A_81] {strides = array<i32>} : memref<8192xf32, #tpu.memory_space<vmem>>, vector<16xf32>,
      %parallel_loop3A_83 = arith.constant 3 : i32
      %parallel_loop3A_84 = arith.index_cast %parallel_loop3A_83 : i32 to index
      %parallel_loop3A_85 = arith.index_cast %parallel_loop3A_50 : i32 to index
      %parallel_loop3A_86 = tpu.vector_load %arg6[%parallel_loop3A_84, %parallel_loop3A_85] {strides = array<i32>} : memref<8x4096xf32, #tpu.memory_space<vmem>>, vector<16xf32>,
      tpu.vector_store %arg6[%parallel_loop3A_84, %parallel_loop3A_85], %parallel_loop3A_82 {strides = array<i32>} : memref<8x4096xf32, #tpu.memory_space<vmem>>, vector<16xf32>,
      %parallel_loop3A_87 = arith.constant 4 : i32
      %parallel_loop3A_88 = arith.subi %sub3A_7, %parallel_loop3A_87 : i32
      %parallel_loop3A_89 = arith.addi %parallel_loop3A_88, %parallel_loop3A_50 : i32
      %parallel_loop3A_90 = arith.index_cast %parallel_loop3A_89 : i32 to index
      %parallel_loop3A_91 = tpu.vector_load %arg5[%parallel_loop3A_90] {strides = array<i32>} : memref<8192xf32, #tpu.memory_space<vmem>>, vector<16xf32>,
      %parallel_loop3A_92 = arith.constant 4 : i32
      %parallel_loop3A_93 = arith.index_cast %parallel_loop3A_92 : i32 to index
      %parallel_loop3A_94 = arith.index_cast %parallel_loop3A_50 : i32 to index
      %parallel_loop3A_95 = tpu.vector_load %arg6[%parallel_loop3A_93, %parallel_loop3A_94] {strides = array<i32>} : memref<8x4096xf32, #tpu.memory_space<vmem>>, vector<16xf32>,
      tpu.vector_store %arg6[%parallel_loop3A_93, %parallel_loop3A_94], %parallel_loop3A_91 {strides = array<i32>} : memref<8x4096xf32, #tpu.memory_space<vmem>>, vector<16xf32>,
      %parallel_loop3A_96 = arith.constant 5 : i32
      %parallel_loop3A_97 = arith.subi %sub3A_7, %parallel_loop3A_96 : i32
      %parallel_loop3A_98 = arith.addi %parallel_loop3A_97, %parallel_loop3A_50 : i32
      %parallel_loop3A_99 = arith.index_cast %parallel_loop3A_98 : i32 to index
      %parallel_loop3A_100 = tpu.vector_load %arg5[%parallel_loop3A_99] {strides = array<i32>} : memref<8192xf32, #tpu.memory_space<vmem>>, vector<16xf32>,
      %parallel_loop3A_101 = arith.constant 5 : i32
      %parallel_loop3A_102 = arith.index_cast %parallel_loop3A_101 : i32 to index
      %parallel_loop3A_103 = arith.index_cast %parallel_loop3A_50 : i32 to index
      %parallel_loop3A_104 = tpu.vector_load %arg6[%parallel_loop3A_102, %parallel_loop3A_103] {strides = array<i32>} : memref<8x4096xf32, #tpu.memory_space<vmem>>, vector<16xf32>,
      tpu.vector_store %arg6[%parallel_loop3A_102, %parallel_loop3A_103], %parallel_loop3A_100 {strides = array<i32>} : memref<8x4096xf32, #tpu.memory_space<vmem>>, vector<16xf32>,
      %parallel_loop3A_105 = arith.constant 6 : i32
      %parallel_loop3A_106 = arith.subi %sub3A_7, %parallel_loop3A_105 : i32
      %parallel_loop3A_107 = arith.addi %parallel_loop3A_106, %parallel_loop3A_50 : i32
      %parallel_loop3A_108 = arith.index_cast %parallel_loop3A_107 : i32 to index
      %parallel_loop3A_109 = tpu.vector_load %arg5[%parallel_loop3A_108] {strides = array<i32>} : memref<8192xf32, #tpu.memory_space<vmem>>, vector<16xf32>,
      %parallel_loop3A_110 = arith.constant 6 : i32
      %parallel_loop3A_111 = arith.index_cast %parallel_loop3A_110 : i32 to index
      %parallel_loop3A_112 = arith.index_cast %parallel_loop3A_50 : i32 to index
      %parallel_loop3A_113 = tpu.vector_load %arg6[%parallel_loop3A_111, %parallel_loop3A_112] {strides = array<i32>} : memref<8x4096xf32, #tpu.memory_space<vmem>>, vector<16xf32>,
      tpu.vector_store %arg6[%parallel_loop3A_111, %parallel_loop3A_112], %parallel_loop3A_109 {strides = array<i32>} : memref<8x4096xf32, #tpu.memory_space<vmem>>, vector<16xf32>,
      %parallel_loop3A_114 = arith.constant 7 : i32
      %parallel_loop3A_115 = arith.subi %sub3A_7, %parallel_loop3A_114 : i32
      %parallel_loop3A_116 = arith.addi %parallel_loop3A_115, %parallel_loop3A_50 : i32
      %parallel_loop3A_117 = arith.index_cast %parallel_loop3A_116 : i32 to index
      %parallel_loop3A_118 = tpu.vector_load %arg5[%parallel_loop3A_117] {strides = array<i32>} : memref<8192xf32, #tpu.memory_space<vmem>>, vector<16xf32>,
      %parallel_loop3A_119 = arith.constant 7 : i32
      %parallel_loop3A_120 = arith.index_cast %parallel_loop3A_119 : i32 to index
      %parallel_loop3A_121 = arith.index_cast %parallel_loop3A_50 : i32 to index
      %parallel_loop3A_122 = tpu.vector_load %arg6[%parallel_loop3A_120, %parallel_loop3A_121] {strides = array<i32>} : memref<8x4096xf32, #tpu.memory_space<vmem>>, vector<16xf32>,
      tpu.vector_store %arg6[%parallel_loop3A_120, %parallel_loop3A_121], %parallel_loop3A_118 {strides = array<i32>} : memref<8x4096xf32, #tpu.memory_space<vmem>>, vector<16xf32>,
    } {sc.loop_unroll_factor = 8 : i64, sc.parallel_access}
    %mul3A_11 = arith.constant 8 : i32
    %mul3A_12 = arith.muli %mul3A_11, %mul3A_4 : i32
    %dma_start3A = arith.constant 0 : i32
    %dma_start3A_13 = tpu.memref_slice %arg3[%mul3A_12, %dma_start3A] : memref<4096x4096xf32, #tpu.memory_space<hbm>> -> memref<8x4096xf32, #tpu.memory_space<hbm>>
    %dma_start3A_14 = arith.constant 0 : i32
    %dma_start3A_15 = tpu.memref_slice %arg3[%mul3A_12, %dma_start3A_14] : memref<4096x4096xf32, #tpu.memory_space<hbm>> -> memref<8x4096xf32, #tpu.memory_space<hbm>>
    tpu.enqueue_dma source(%arg6 : memref<8x4096xf32, #tpu.memory_space<vmem>>) target(%dma_start3A_15 : memref<8x4096xf32, #tpu.memory_space<hbm>>) target_semaphore(%arg8 : memref<!tpu.dma_semaphore, #tpu.memory_space<semaphore_mem>>)
    %scan3A = arith.constant 0 : i32
    %scan3A_16 = arith.constant 0 : i32
    %scan3A_17 = arith.constant 7 : i32
    %scan3A_18 = arith.addi %scan3A_16, %scan3A_17 : i32
    %scan3A_19 = arith.constant 1 : i32
    %scan3A_20 = scf.for %scan3A_50 = %scan3A_16 to %scan3A_18 step %scan3A_19 iter_args(%scan3A_51 = %scan3A) -> (i32)  : i32 {
      %mul3A_52 = arith.constant 2 : i32
      %mul3A_53 = arith.muli %mul3A_52, %scan3A_50 : i32
      %add3A_54 = arith.addi %mul3A_4, %mul3A_53 : i32
      %add3A_55 = arith.constant 1 : i32
      %add3A_56 = arith.addi %add3A_54, %add3A_55 : i32
      %mul3A_57 = arith.constant 8 : i32
      %mul3A_58 = arith.muli %mul3A_57, %add3A_56 : i32
      %sub3A_59 = arith.constant 4095 : i32
      %sub3A_60 = arith.subi %sub3A_59, %mul3A_58 : i32
      %parallel_loop3A_61 = arith.constant 0 : i32
      %parallel_loop3A_62 = arith.constant 4096 : i32
      %parallel_loop3A_63 = arith.constant 16 : i32
      scf.for %parallel_loop3A_98 = %parallel_loop3A_61 to %parallel_loop3A_62 step %parallel_loop3A_63  : i32 {
        %parallel_loop3A_99 = arith.constant 0 : i32
        %parallel_loop3A_100 = arith.subi %sub3A_60, %parallel_loop3A_99 : i32
        %parallel_loop3A_101 = arith.addi %parallel_loop3A_100, %parallel_loop3A_98 : i32
        %parallel_loop3A_102 = arith.index_cast %parallel_loop3A_101 : i32 to index
        %parallel_loop3A_103 = tpu.vector_load %arg5[%parallel_loop3A_102] {strides = array<i32>} : memref<8192xf32, #tpu.memory_space<vmem>>, vector<16xf32>,
        %parallel_loop3A_104 = arith.constant 0 : i32
        %parallel_loop3A_105 = arith.index_cast %parallel_loop3A_104 : i32 to index
        %parallel_loop3A_106 = arith.index_cast %parallel_loop3A_98 : i32 to index
        %parallel_loop3A_107 = tpu.vector_load %arg7[%parallel_loop3A_105, %parallel_loop3A_106] {strides = array<i32>} : memref<8x4096xf32, #tpu.memory_space<vmem>>, vector<16xf32>,
        tpu.vector_store %arg7[%parallel_loop3A_105, %parallel_loop3A_106], %parallel_loop3A_103 {strides = array<i32>} : memref<8x4096xf32, #tpu.memory_space<vmem>>, vector<16xf32>,
        %parallel_loop3A_108 = arith.constant 1 : i32
        %parallel_loop3A_109 = arith.subi %sub3A_60, %parallel_loop3A_108 : i32
        %parallel_loop3A_110 = arith.addi %parallel_loop3A_109, %parallel_loop3A_98 : i32
        %parallel_loop3A_111 = arith.index_cast %parallel_loop3A_110 : i32 to index
        %parallel_loop3A_112 = tpu.vector_load %arg5[%parallel_loop3A_111] {strides = array<i32>} : memref<8192xf32, #tpu.memory_space<vmem>>, vector<16xf32>,
        %parallel_loop3A_113 = arith.constant 1 : i32
        %parallel_loop3A_114 = arith.index_cast %parallel_loop3A_113 : i32 to index
        %parallel_loop3A_115 = arith.index_cast %parallel_loop3A_98 : i32 to index
        %parallel_loop3A_116 = tpu.vector_load %arg7[%parallel_loop3A_114, %parallel_loop3A_115] {strides = array<i32>} : memref<8x4096xf32, #tpu.memory_space<vmem>>, vector<16xf32>,
        tpu.vector_store %arg7[%parallel_loop3A_114, %parallel_loop3A_115], %parallel_loop3A_112 {strides = array<i32>} : memref<8x4096xf32, #tpu.memory_space<vmem>>, vector<16xf32>,
        %parallel_loop3A_117 = arith.constant 2 : i32
        %parallel_loop3A_118 = arith.subi %sub3A_60, %parallel_loop3A_117 : i32
        %parallel_loop3A_119 = arith.addi %parallel_loop3A_118, %parallel_loop3A_98 : i32
        %parallel_loop3A_120 = arith.index_cast %parallel_loop3A_119 : i32 to index
        %parallel_loop3A_121 = tpu.vector_load %arg5[%parallel_loop3A_120] {strides = array<i32>} : memref<8192xf32, #tpu.memory_space<vmem>>, vector<16xf32>,
        %parallel_loop3A_122 = arith.constant 2 : i32
        %parallel_loop3A_123 = arith.index_cast %parallel_loop3A_122 : i32 to index
        %parallel_loop3A_124 = arith.index_cast %parallel_loop3A_98 : i32 to index
        %parallel_loop3A_125 = tpu.vector_load %arg7[%parallel_loop3A_123, %parallel_loop3A_124] {strides = array<i32>} : memref<8x4096xf32, #tpu.memory_space<vmem>>, vector<16xf32>,
        tpu.vector_store %arg7[%parallel_loop3A_123, %parallel_loop3A_124], %parallel_loop3A_121 {strides = array<i32>} : memref<8x4096xf32, #tpu.memory_space<vmem>>, vector<16xf32>,
        %parallel_loop3A_126 = arith.constant 3 : i32
        %parallel_loop3A_127 = arith.subi %sub3A_60, %parallel_loop3A_126 : i32
        %parallel_loop3A_128 = arith.addi %parallel_loop3A_127, %parallel_loop3A_98 : i32
        %parallel_loop3A_129 = arith.index_cast %parallel_loop3A_128 : i32 to index
        %parallel_loop3A_130 = tpu.vector_load %arg5[%parallel_loop3A_129] {strides = array<i32>} : memref<8192xf32, #tpu.memory_space<vmem>>, vector<16xf32>,
        %parallel_loop3A_131 = arith.constant 3 : i32
        %parallel_loop3A_132 = arith.index_cast %parallel_loop3A_131 : i32 to index
        %parallel_loop3A_133 = arith.index_cast %parallel_loop3A_98 : i32 to index
        %parallel_loop3A_134 = tpu.vector_load %arg7[%parallel_loop3A_132, %parallel_loop3A_133] {strides = array<i32>} : memref<8x4096xf32, #tpu.memory_space<vmem>>, vector<16xf32>,
        tpu.vector_store %arg7[%parallel_loop3A_132, %parallel_loop3A_133], %parallel_loop3A_130 {strides = array<i32>} : memref<8x4096xf32, #tpu.memory_space<vmem>>, vector<16xf32>,
        %parallel_loop3A_135 = arith.constant 4 : i32
        %parallel_loop3A_136 = arith.subi %sub3A_60, %parallel_loop3A_135 : i32
        %parallel_loop3A_137 = arith.addi %parallel_loop3A_136, %parallel_loop3A_98 : i32
        %parallel_loop3A_138 = arith.index_cast %parallel_loop3A_137 : i32 to index
        %parallel_loop3A_139 = tpu.vector_load %arg5[%parallel_loop3A_138] {strides = array<i32>} : memref<8192xf32, #tpu.memory_space<vmem>>, vector<16xf32>,
        %parallel_loop3A_140 = arith.constant 4 : i32
        %parallel_loop3A_141 = arith.index_cast %parallel_loop3A_140 : i32 to index
        %parallel_loop3A_142 = arith.index_cast %parallel_loop3A_98 : i32 to index
        %parallel_loop3A_143 = tpu.vector_load %arg7[%parallel_loop3A_141, %parallel_loop3A_142] {strides = array<i32>} : memref<8x4096xf32, #tpu.memory_space<vmem>>, vector<16xf32>,
        tpu.vector_store %arg7[%parallel_loop3A_141, %parallel_loop3A_142], %parallel_loop3A_139 {strides = array<i32>} : memref<8x4096xf32, #tpu.memory_space<vmem>>, vector<16xf32>,
        %parallel_loop3A_144 = arith.constant 5 : i32
        %parallel_loop3A_145 = arith.subi %sub3A_60, %parallel_loop3A_144 : i32
        %parallel_loop3A_146 = arith.addi %parallel_loop3A_145, %parallel_loop3A_98 : i32
        %parallel_loop3A_147 = arith.index_cast %parallel_loop3A_146 : i32 to index
        %parallel_loop3A_148 = tpu.vector_load %arg5[%parallel_loop3A_147] {strides = array<i32>} : memref<8192xf32, #tpu.memory_space<vmem>>, vector<16xf32>,
        %parallel_loop3A_149 = arith.constant 5 : i32
        %parallel_loop3A_150 = arith.index_cast %parallel_loop3A_149 : i32 to index
        %parallel_loop3A_151 = arith.index_cast %parallel_loop3A_98 : i32 to index
        %parallel_loop3A_152 = tpu.vector_load %arg7[%parallel_loop3A_150, %parallel_loop3A_151] {strides = array<i32>} : memref<8x4096xf32, #tpu.memory_space<vmem>>, vector<16xf32>,
        tpu.vector_store %arg7[%parallel_loop3A_150, %parallel_loop3A_151], %parallel_loop3A_148 {strides = array<i32>} : memref<8x4096xf32, #tpu.memory_space<vmem>>, vector<16xf32>,
        %parallel_loop3A_153 = arith.constant 6 : i32
        %parallel_loop3A_154 = arith.subi %sub3A_60, %parallel_loop3A_153 : i32
        %parallel_loop3A_155 = arith.addi %parallel_loop3A_154, %parallel_loop3A_98 : i32
        %parallel_loop3A_156 = arith.index_cast %parallel_loop3A_155 : i32 to index
        %parallel_loop3A_157 = tpu.vector_load %arg5[%parallel_loop3A_156] {strides = array<i32>} : memref<8192xf32, #tpu.memory_space<vmem>>, vector<16xf32>,
        %parallel_loop3A_158 = arith.constant 6 : i32
        %parallel_loop3A_159 = arith.index_cast %parallel_loop3A_158 : i32 to index
        %parallel_loop3A_160 = arith.index_cast %parallel_loop3A_98 : i32 to index
        %parallel_loop3A_161 = tpu.vector_load %arg7[%parallel_loop3A_159, %parallel_loop3A_160] {strides = array<i32>} : memref<8x4096xf32, #tpu.memory_space<vmem>>, vector<16xf32>,
        tpu.vector_store %arg7[%parallel_loop3A_159, %parallel_loop3A_160], %parallel_loop3A_157 {strides = array<i32>} : memref<8x4096xf32, #tpu.memory_space<vmem>>, vector<16xf32>,
        %parallel_loop3A_162 = arith.constant 7 : i32
        %parallel_loop3A_163 = arith.subi %sub3A_60, %parallel_loop3A_162 : i32
        %parallel_loop3A_164 = arith.addi %parallel_loop3A_163, %parallel_loop3A_98 : i32
        %parallel_loop3A_165 = arith.index_cast %parallel_loop3A_164 : i32 to index
        %parallel_loop3A_166 = tpu.vector_load %arg5[%parallel_loop3A_165] {strides = array<i32>} : memref<8192xf32, #tpu.memory_space<vmem>>, vector<16xf32>,
        %parallel_loop3A_167 = arith.constant 7 : i32
        %parallel_loop3A_168 = arith.index_cast %parallel_loop3A_167 : i32 to index
        %parallel_loop3A_169 = arith.index_cast %parallel_loop3A_98 : i32 to index
        %parallel_loop3A_170 = tpu.vector_load %arg7[%parallel_loop3A_168, %parallel_loop3A_169] {strides = array<i32>} : memref<8x4096xf32, #tpu.memory_space<vmem>>, vector<16xf32>,
        tpu.vector_store %arg7[%parallel_loop3A_168, %parallel_loop3A_169], %parallel_loop3A_166 {strides = array<i32>} : memref<8x4096xf32, #tpu.memory_space<vmem>>, vector<16xf32>,
      } {sc.loop_unroll_factor = 8 : i64, sc.parallel_access}
      %mul3A_64 = arith.constant 8 : i32
      %mul3A_65 = arith.muli %mul3A_64, %add3A_56 : i32
      %dma_start3A_66 = arith.constant 0 : i32
      %dma_start3A_67 = tpu.memref_slice %arg3[%mul3A_65, %dma_start3A_66] : memref<4096x4096xf32, #tpu.memory_space<hbm>> -> memref<8x4096xf32, #tpu.memory_space<hbm>>
      %dma_start3A_68 = arith.constant 0 : i32
      %dma_start3A_69 = tpu.memref_slice %arg3[%mul3A_65, %dma_start3A_68] : memref<4096x4096xf32, #tpu.memory_space<hbm>> -> memref<8x4096xf32, #tpu.memory_space<hbm>>
      tpu.enqueue_dma source(%arg7 : memref<8x4096xf32, #tpu.memory_space<vmem>>) target(%dma_start3A_69 : memref<8x4096xf32, #tpu.memory_space<hbm>>) target_semaphore(%arg9 : memref<!tpu.dma_semaphore, #tpu.memory_space<semaphore_mem>>)
      %dma_wait3A_70 = arith.constant 0 : i32
      %dma_wait3A_71 = arith.constant 0 : i32
      %dma_wait3A_72 = tpu.memref_slice %arg3[%dma_wait3A_70, %dma_wait3A_71] : memref<4096x4096xf32, #tpu.memory_space<hbm>> -> memref<8x4096xf32, #tpu.memory_space<hbm>>
      %dma_wait3A_73 = arith.constant 0 : i32
      %dma_wait3A_74 = arith.constant 0 : i32
      %dma_wait3A_75 = tpu.memref_slice %arg3[%dma_wait3A_73, %dma_wait3A_74] : memref<4096x4096xf32, #tpu.memory_space<hbm>> -> memref<8x4096xf32, #tpu.memory_space<hbm>>
      tpu.wait_dma2 semaphore(%arg8 : memref<!tpu.dma_semaphore, #tpu.memory_space<semaphore_mem>>) src(%arg6 : memref<8x4096xf32, #tpu.memory_space<vmem>>) dst(%dma_wait3A_75 : memref<8x4096xf32, #tpu.memory_space<hbm>>)
      %add3A_76 = arith.constant 1 : i32
      %add3A_77 = arith.addi %add3A_56, %add3A_76 : i32
      %mul3A_78 = arith.constant 8 : i32
      %mul3A_79 = arith.muli %mul3A_78, %add3A_77 : i32
      %sub3A_80 = arith.constant 4095 : i32
      %sub3A_81 = arith.subi %sub3A_80, %mul3A_79 : i32
      %parallel_loop3A_82 = arith.constant 0 : i32
      %parallel_loop3A_83 = arith.constant 4096 : i32
      %parallel_loop3A_84 = arith.constant 16 : i32
      scf.for %parallel_loop3A_98 = %parallel_loop3A_82 to %parallel_loop3A_83 step %parallel_loop3A_84  : i32 {
        %parallel_loop3A_99 = arith.constant 0 : i32
        %parallel_loop3A_100 = arith.subi %sub3A_81, %parallel_loop3A_99 : i32
        %parallel_loop3A_101 = arith.addi %parallel_loop3A_100, %parallel_loop3A_98 : i32
        %parallel_loop3A_102 = arith.index_cast %parallel_loop3A_101 : i32 to index
        %parallel_loop3A_103 = tpu.vector_load %arg5[%parallel_loop3A_102] {strides = array<i32>} : memref<8192xf32, #tpu.memory_space<vmem>>, vector<16xf32>,
        %parallel_loop3A_104 = arith.constant 0 : i32
        %parallel_loop3A_105 = arith.index_cast %parallel_loop3A_104 : i32 to index
        %parallel_loop3A_106 = arith.index_cast %parallel_loop3A_98 : i32 to index
        %parallel_loop3A_107 = tpu.vector_load %arg6[%parallel_loop3A_105, %parallel_loop3A_106] {strides = array<i32>} : memref<8x4096xf32, #tpu.memory_space<vmem>>, vector<16xf32>,
        tpu.vector_store %arg6[%parallel_loop3A_105, %parallel_loop3A_106], %parallel_loop3A_103 {strides = array<i32>} : memref<8x4096xf32, #tpu.memory_space<vmem>>, vector<16xf32>,
        %parallel_loop3A_108 = arith.constant 1 : i32
        %parallel_loop3A_109 = arith.subi %sub3A_81, %parallel_loop3A_108 : i32
        %parallel_loop3A_110 = arith.addi %parallel_loop3A_109, %parallel_loop3A_98 : i32
        %parallel_loop3A_111 = arith.index_cast %parallel_loop3A_110 : i32 to index
        %parallel_loop3A_112 = tpu.vector_load %arg5[%parallel_loop3A_111] {strides = array<i32>} : memref<8192xf32, #tpu.memory_space<vmem>>, vector<16xf32>,
        %parallel_loop3A_113 = arith.constant 1 : i32
        %parallel_loop3A_114 = arith.index_cast %parallel_loop3A_113 : i32 to index
        %parallel_loop3A_115 = arith.index_cast %parallel_loop3A_98 : i32 to index
        %parallel_loop3A_116 = tpu.vector_load %arg6[%parallel_loop3A_114, %parallel_loop3A_115] {strides = array<i32>} : memref<8x4096xf32, #tpu.memory_space<vmem>>, vector<16xf32>,
        tpu.vector_store %arg6[%parallel_loop3A_114, %parallel_loop3A_115], %parallel_loop3A_112 {strides = array<i32>} : memref<8x4096xf32, #tpu.memory_space<vmem>>, vector<16xf32>,
        %parallel_loop3A_117 = arith.constant 2 : i32
        %parallel_loop3A_118 = arith.subi %sub3A_81, %parallel_loop3A_117 : i32
        %parallel_loop3A_119 = arith.addi %parallel_loop3A_118, %parallel_loop3A_98 : i32
        %parallel_loop3A_120 = arith.index_cast %parallel_loop3A_119 : i32 to index
        %parallel_loop3A_121 = tpu.vector_load %arg5[%parallel_loop3A_120] {strides = array<i32>} : memref<8192xf32, #tpu.memory_space<vmem>>, vector<16xf32>,
        %parallel_loop3A_122 = arith.constant 2 : i32
        %parallel_loop3A_123 = arith.index_cast %parallel_loop3A_122 : i32 to index
        %parallel_loop3A_124 = arith.index_cast %parallel_loop3A_98 : i32 to index
        %parallel_loop3A_125 = tpu.vector_load %arg6[%parallel_loop3A_123, %parallel_loop3A_124] {strides = array<i32>} : memref<8x4096xf32, #tpu.memory_space<vmem>>, vector<16xf32>,
        tpu.vector_store %arg6[%parallel_loop3A_123, %parallel_loop3A_124], %parallel_loop3A_121 {strides = array<i32>} : memref<8x4096xf32, #tpu.memory_space<vmem>>, vector<16xf32>,
        %parallel_loop3A_126 = arith.constant 3 : i32
        %parallel_loop3A_127 = arith.subi %sub3A_81, %parallel_loop3A_126 : i32
        %parallel_loop3A_128 = arith.addi %parallel_loop3A_127, %parallel_loop3A_98 : i32
        %parallel_loop3A_129 = arith.index_cast %parallel_loop3A_128 : i32 to index
        %parallel_loop3A_130 = tpu.vector_load %arg5[%parallel_loop3A_129] {strides = array<i32>} : memref<8192xf32, #tpu.memory_space<vmem>>, vector<16xf32>,
        %parallel_loop3A_131 = arith.constant 3 : i32
        %parallel_loop3A_132 = arith.index_cast %parallel_loop3A_131 : i32 to index
        %parallel_loop3A_133 = arith.index_cast %parallel_loop3A_98 : i32 to index
        %parallel_loop3A_134 = tpu.vector_load %arg6[%parallel_loop3A_132, %parallel_loop3A_133] {strides = array<i32>} : memref<8x4096xf32, #tpu.memory_space<vmem>>, vector<16xf32>,
        tpu.vector_store %arg6[%parallel_loop3A_132, %parallel_loop3A_133], %parallel_loop3A_130 {strides = array<i32>} : memref<8x4096xf32, #tpu.memory_space<vmem>>, vector<16xf32>,
        %parallel_loop3A_135 = arith.constant 4 : i32
        %parallel_loop3A_136 = arith.subi %sub3A_81, %parallel_loop3A_135 : i32
        %parallel_loop3A_137 = arith.addi %parallel_loop3A_136, %parallel_loop3A_98 : i32
        %parallel_loop3A_138 = arith.index_cast %parallel_loop3A_137 : i32 to index
        %parallel_loop3A_139 = tpu.vector_load %arg5[%parallel_loop3A_138] {strides = array<i32>} : memref<8192xf32, #tpu.memory_space<vmem>>, vector<16xf32>,
        %parallel_loop3A_140 = arith.constant 4 : i32
        %parallel_loop3A_141 = arith.index_cast %parallel_loop3A_140 : i32 to index
        %parallel_loop3A_142 = arith.index_cast %parallel_loop3A_98 : i32 to index
        %parallel_loop3A_143 = tpu.vector_load %arg6[%parallel_loop3A_141, %parallel_loop3A_142] {strides = array<i32>} : memref<8x4096xf32, #tpu.memory_space<vmem>>, vector<16xf32>,
        tpu.vector_store %arg6[%parallel_loop3A_141, %parallel_loop3A_142], %parallel_loop3A_139 {strides = array<i32>} : memref<8x4096xf32, #tpu.memory_space<vmem>>, vector<16xf32>,
        %parallel_loop3A_144 = arith.constant 5 : i32
        %parallel_loop3A_145 = arith.subi %sub3A_81, %parallel_loop3A_144 : i32
        %parallel_loop3A_146 = arith.addi %parallel_loop3A_145, %parallel_loop3A_98 : i32
        %parallel_loop3A_147 = arith.index_cast %parallel_loop3A_146 : i32 to index
        %parallel_loop3A_148 = tpu.vector_load %arg5[%parallel_loop3A_147] {strides = array<i32>} : memref<8192xf32, #tpu.memory_space<vmem>>, vector<16xf32>,
        %parallel_loop3A_149 = arith.constant 5 : i32
        %parallel_loop3A_150 = arith.index_cast %parallel_loop3A_149 : i32 to index
        %parallel_loop3A_151 = arith.index_cast %parallel_loop3A_98 : i32 to index
        %parallel_loop3A_152 = tpu.vector_load %arg6[%parallel_loop3A_150, %parallel_loop3A_151] {strides = array<i32>} : memref<8x4096xf32, #tpu.memory_space<vmem>>, vector<16xf32>,
        tpu.vector_store %arg6[%parallel_loop3A_150, %parallel_loop3A_151], %parallel_loop3A_148 {strides = array<i32>} : memref<8x4096xf32, #tpu.memory_space<vmem>>, vector<16xf32>,
        %parallel_loop3A_153 = arith.constant 6 : i32
        %parallel_loop3A_154 = arith.subi %sub3A_81, %parallel_loop3A_153 : i32
        %parallel_loop3A_155 = arith.addi %parallel_loop3A_154, %parallel_loop3A_98 : i32
        %parallel_loop3A_156 = arith.index_cast %parallel_loop3A_155 : i32 to index
        %parallel_loop3A_157 = tpu.vector_load %arg5[%parallel_loop3A_156] {strides = array<i32>} : memref<8192xf32, #tpu.memory_space<vmem>>, vector<16xf32>,
        %parallel_loop3A_158 = arith.constant 6 : i32
        %parallel_loop3A_159 = arith.index_cast %parallel_loop3A_158 : i32 to index
        %parallel_loop3A_160 = arith.index_cast %parallel_loop3A_98 : i32 to index
        %parallel_loop3A_161 = tpu.vector_load %arg6[%parallel_loop3A_159, %parallel_loop3A_160] {strides = array<i32>} : memref<8x4096xf32, #tpu.memory_space<vmem>>, vector<16xf32>,
        tpu.vector_store %arg6[%parallel_loop3A_159, %parallel_loop3A_160], %parallel_loop3A_157 {strides = array<i32>} : memref<8x4096xf32, #tpu.memory_space<vmem>>, vector<16xf32>,
        %parallel_loop3A_162 = arith.constant 7 : i32
        %parallel_loop3A_163 = arith.subi %sub3A_81, %parallel_loop3A_162 : i32
        %parallel_loop3A_164 = arith.addi %parallel_loop3A_163, %parallel_loop3A_98 : i32
        %parallel_loop3A_165 = arith.index_cast %parallel_loop3A_164 : i32 to index
        %parallel_loop3A_166 = tpu.vector_load %arg5[%parallel_loop3A_165] {strides = array<i32>} : memref<8192xf32, #tpu.memory_space<vmem>>, vector<16xf32>,
        %parallel_loop3A_167 = arith.constant 7 : i32
        %parallel_loop3A_168 = arith.index_cast %parallel_loop3A_167 : i32 to index
        %parallel_loop3A_169 = arith.index_cast %parallel_loop3A_98 : i32 to index
        %parallel_loop3A_170 = tpu.vector_load %arg6[%parallel_loop3A_168, %parallel_loop3A_169] {strides = array<i32>} : memref<8x4096xf32, #tpu.memory_space<vmem>>, vector<16xf32>,
        tpu.vector_store %arg6[%parallel_loop3A_168, %parallel_loop3A_169], %parallel_loop3A_166 {strides = array<i32>} : memref<8x4096xf32, #tpu.memory_space<vmem>>, vector<16xf32>,
      } {sc.loop_unroll_factor = 8 : i64, sc.parallel_access}
      %mul3A_85 = arith.constant 8 : i32
      %mul3A_86 = arith.muli %mul3A_85, %add3A_77 : i32
      %dma_start3A_87 = arith.constant 0 : i32
      %dma_start3A_88 = tpu.memref_slice %arg3[%mul3A_86, %dma_start3A_87] : memref<4096x4096xf32, #tpu.memory_space<hbm>> -> memref<8x4096xf32, #tpu.memory_space<hbm>>
      %dma_start3A_89 = arith.constant 0 : i32
      %dma_start3A_90 = tpu.memref_slice %arg3[%mul3A_86, %dma_start3A_89] : memref<4096x4096xf32, #tpu.memory_space<hbm>> -> memref<8x4096xf32, #tpu.memory_space<hbm>>
      tpu.enqueue_dma source(%arg6 : memref<8x4096xf32, #tpu.memory_space<vmem>>) target(%dma_start3A_90 : memref<8x4096xf32, #tpu.memory_space<hbm>>) target_semaphore(%arg8 : memref<!tpu.dma_semaphore, #tpu.memory_space<semaphore_mem>>)
      %dma_wait3A_91 = arith.constant 0 : i32
      %dma_wait3A_92 = arith.constant 0 : i32
      %dma_wait3A_93 = tpu.memref_slice %arg3[%dma_wait3A_91, %dma_wait3A_92] : memref<4096x4096xf32, #tpu.memory_space<hbm>> -> memref<8x4096xf32, #tpu.memory_space<hbm>>
      %dma_wait3A_94 = arith.constant 0 : i32
      %dma_wait3A_95 = arith.constant 0 : i32
      %dma_wait3A_96 = tpu.memref_slice %arg3[%dma_wait3A_94, %dma_wait3A_95] : memref<4096x4096xf32, #tpu.memory_space<hbm>> -> memref<8x4096xf32, #tpu.memory_space<hbm>>
      tpu.wait_dma2 semaphore(%arg9 : memref<!tpu.dma_semaphore, #tpu.memory_space<semaphore_mem>>) src(%arg7 : memref<8x4096xf32, #tpu.memory_space<vmem>>) dst(%dma_wait3A_96 : memref<8x4096xf32, #tpu.memory_space<hbm>>)
      %scan3A_97 = arith.constant 0 : i32
      scf.yield %scan3A_97 : i32
    }
    %scan3A_21 = arith.constant 7 : i32
    %add3A_22 = arith.constant 16 : i32
    %add3A_23 = arith.addi %mul3A_4, %add3A_22 : i32
    %sub3A_24 = arith.constant 1 : i32
    %sub3A_25 = arith.subi %add3A_23, %sub3A_24 : i32
    %mul3A_26 = arith.constant 8 : i32
    %mul3A_27 = arith.muli %mul3A_26, %sub3A_25 : i32
    %sub3A_28 = arith.constant 4095 : i32
    %sub3A_29 = arith.subi %sub3A_28, %mul3A_27 : i32
    %parallel_loop3A_30 = arith.constant 0 : i32
    %parallel_loop3A_31 = arith.constant 4096 : i32
    %parallel_loop3A_32 = arith.constant 16 : i32
    scf.for %parallel_loop3A_50 = %parallel_loop3A_30 to %parallel_loop3A_31 step %parallel_loop3A_32  : i32 {
      %parallel_loop3A_51 = arith.constant 0 : i32
      %parallel_loop3A_52 = arith.subi %sub3A_29, %parallel_loop3A_51 : i32
      %parallel_loop3A_53 = arith.addi %parallel_loop3A_52, %parallel_loop3A_50 : i32
      %parallel_loop3A_54 = arith.index_cast %parallel_loop3A_53 : i32 to index
      %parallel_loop3A_55 = tpu.vector_load %arg5[%parallel_loop3A_54] {strides = array<i32>} : memref<8192xf32, #tpu.memory_space<vmem>>, vector<16xf32>,
      %parallel_loop3A_56 = arith.constant 0 : i32
      %parallel_loop3A_57 = arith.index_cast %parallel_loop3A_56 : i32 to index
      %parallel_loop3A_58 = arith.index_cast %parallel_loop3A_50 : i32 to index
      %parallel_loop3A_59 = tpu.vector_load %arg7[%parallel_loop3A_57, %parallel_loop3A_58] {strides = array<i32>} : memref<8x4096xf32, #tpu.memory_space<vmem>>, vector<16xf32>,
      tpu.vector_store %arg7[%parallel_loop3A_57, %parallel_loop3A_58], %parallel_loop3A_55 {strides = array<i32>} : memref<8x4096xf32, #tpu.memory_space<vmem>>, vector<16xf32>,
      %parallel_loop3A_60 = arith.constant 1 : i32
      %parallel_loop3A_61 = arith.subi %sub3A_29, %parallel_loop3A_60 : i32
      %parallel_loop3A_62 = arith.addi %parallel_loop3A_61, %parallel_loop3A_50 : i32
      %parallel_loop3A_63 = arith.index_cast %parallel_loop3A_62 : i32 to index
      %parallel_loop3A_64 = tpu.vector_load %arg5[%parallel_loop3A_63] {strides = array<i32>} : memref<8192xf32, #tpu.memory_space<vmem>>, vector<16xf32>,
      %parallel_loop3A_65 = arith.constant 1 : i32
      %parallel_loop3A_66 = arith.index_cast %parallel_loop3A_65 : i32 to index
      %parallel_loop3A_67 = arith.index_cast %parallel_loop3A_50 : i32 to index
      %parallel_loop3A_68 = tpu.vector_load %arg7[%parallel_loop3A_66, %parallel_loop3A_67] {strides = array<i32>} : memref<8x4096xf32, #tpu.memory_space<vmem>>, vector<16xf32>,
      tpu.vector_store %arg7[%parallel_loop3A_66, %parallel_loop3A_67], %parallel_loop3A_64 {strides = array<i32>} : memref<8x4096xf32, #tpu.memory_space<vmem>>, vector<16xf32>,
      %parallel_loop3A_69 = arith.constant 2 : i32
      %parallel_loop3A_70 = arith.subi %sub3A_29, %parallel_loop3A_69 : i32
      %parallel_loop3A_71 = arith.addi %parallel_loop3A_70, %parallel_loop3A_50 : i32
      %parallel_loop3A_72 = arith.index_cast %parallel_loop3A_71 : i32 to index
      %parallel_loop3A_73 = tpu.vector_load %arg5[%parallel_loop3A_72] {strides = array<i32>} : memref<8192xf32, #tpu.memory_space<vmem>>, vector<16xf32>,
      %parallel_loop3A_74 = arith.constant 2 : i32
      %parallel_loop3A_75 = arith.index_cast %parallel_loop3A_74 : i32 to index
      %parallel_loop3A_76 = arith.index_cast %parallel_loop3A_50 : i32 to index
      %parallel_loop3A_77 = tpu.vector_load %arg7[%parallel_loop3A_75, %parallel_loop3A_76] {strides = array<i32>} : memref<8x4096xf32, #tpu.memory_space<vmem>>, vector<16xf32>,
      tpu.vector_store %arg7[%parallel_loop3A_75, %parallel_loop3A_76], %parallel_loop3A_73 {strides = array<i32>} : memref<8x4096xf32, #tpu.memory_space<vmem>>, vector<16xf32>,
      %parallel_loop3A_78 = arith.constant 3 : i32
      %parallel_loop3A_79 = arith.subi %sub3A_29, %parallel_loop3A_78 : i32
      %parallel_loop3A_80 = arith.addi %parallel_loop3A_79, %parallel_loop3A_50 : i32
      %parallel_loop3A_81 = arith.index_cast %parallel_loop3A_80 : i32 to index
      %parallel_loop3A_82 = tpu.vector_load %arg5[%parallel_loop3A_81] {strides = array<i32>} : memref<8192xf32, #tpu.memory_space<vmem>>, vector<16xf32>,
      %parallel_loop3A_83 = arith.constant 3 : i32
      %parallel_loop3A_84 = arith.index_cast %parallel_loop3A_83 : i32 to index
      %parallel_loop3A_85 = arith.index_cast %parallel_loop3A_50 : i32 to index
      %parallel_loop3A_86 = tpu.vector_load %arg7[%parallel_loop3A_84, %parallel_loop3A_85] {strides = array<i32>} : memref<8x4096xf32, #tpu.memory_space<vmem>>, vector<16xf32>,
      tpu.vector_store %arg7[%parallel_loop3A_84, %parallel_loop3A_85], %parallel_loop3A_82 {strides = array<i32>} : memref<8x4096xf32, #tpu.memory_space<vmem>>, vector<16xf32>,
      %parallel_loop3A_87 = arith.constant 4 : i32
      %parallel_loop3A_88 = arith.subi %sub3A_29, %parallel_loop3A_87 : i32
      %parallel_loop3A_89 = arith.addi %parallel_loop3A_88, %parallel_loop3A_50 : i32
      %parallel_loop3A_90 = arith.index_cast %parallel_loop3A_89 : i32 to index
      %parallel_loop3A_91 = tpu.vector_load %arg5[%parallel_loop3A_90] {strides = array<i32>} : memref<8192xf32, #tpu.memory_space<vmem>>, vector<16xf32>,
      %parallel_loop3A_92 = arith.constant 4 : i32
      %parallel_loop3A_93 = arith.index_cast %parallel_loop3A_92 : i32 to index
      %parallel_loop3A_94 = arith.index_cast %parallel_loop3A_50 : i32 to index
      %parallel_loop3A_95 = tpu.vector_load %arg7[%parallel_loop3A_93, %parallel_loop3A_94] {strides = array<i32>} : memref<8x4096xf32, #tpu.memory_space<vmem>>, vector<16xf32>,
      tpu.vector_store %arg7[%parallel_loop3A_93, %parallel_loop3A_94], %parallel_loop3A_91 {strides = array<i32>} : memref<8x4096xf32, #tpu.memory_space<vmem>>, vector<16xf32>,
      %parallel_loop3A_96 = arith.constant 5 : i32
      %parallel_loop3A_97 = arith.subi %sub3A_29, %parallel_loop3A_96 : i32
      %parallel_loop3A_98 = arith.addi %parallel_loop3A_97, %parallel_loop3A_50 : i32
      %parallel_loop3A_99 = arith.index_cast %parallel_loop3A_98 : i32 to index
      %parallel_loop3A_100 = tpu.vector_load %arg5[%parallel_loop3A_99] {strides = array<i32>} : memref<8192xf32, #tpu.memory_space<vmem>>, vector<16xf32>,
      %parallel_loop3A_101 = arith.constant 5 : i32
      %parallel_loop3A_102 = arith.index_cast %parallel_loop3A_101 : i32 to index
      %parallel_loop3A_103 = arith.index_cast %parallel_loop3A_50 : i32 to index
      %parallel_loop3A_104 = tpu.vector_load %arg7[%parallel_loop3A_102, %parallel_loop3A_103] {strides = array<i32>} : memref<8x4096xf32, #tpu.memory_space<vmem>>, vector<16xf32>,
      tpu.vector_store %arg7[%parallel_loop3A_102, %parallel_loop3A_103], %parallel_loop3A_100 {strides = array<i32>} : memref<8x4096xf32, #tpu.memory_space<vmem>>, vector<16xf32>,
      %parallel_loop3A_105 = arith.constant 6 : i32
      %parallel_loop3A_106 = arith.subi %sub3A_29, %parallel_loop3A_105 : i32
      %parallel_loop3A_107 = arith.addi %parallel_loop3A_106, %parallel_loop3A_50 : i32
      %parallel_loop3A_108 = arith.index_cast %parallel_loop3A_107 : i32 to index
      %parallel_loop3A_109 = tpu.vector_load %arg5[%parallel_loop3A_108] {strides = array<i32>} : memref<8192xf32, #tpu.memory_space<vmem>>, vector<16xf32>,
      %parallel_loop3A_110 = arith.constant 6 : i32
      %parallel_loop3A_111 = arith.index_cast %parallel_loop3A_110 : i32 to index
      %parallel_loop3A_112 = arith.index_cast %parallel_loop3A_50 : i32 to index
      %parallel_loop3A_113 = tpu.vector_load %arg7[%parallel_loop3A_111, %parallel_loop3A_112] {strides = array<i32>} : memref<8x4096xf32, #tpu.memory_space<vmem>>, vector<16xf32>,
      tpu.vector_store %arg7[%parallel_loop3A_111, %parallel_loop3A_112], %parallel_loop3A_109 {strides = array<i32>} : memref<8x4096xf32, #tpu.memory_space<vmem>>, vector<16xf32>,
      %parallel_loop3A_114 = arith.constant 7 : i32
      %parallel_loop3A_115 = arith.subi %sub3A_29, %parallel_loop3A_114 : i32
      %parallel_loop3A_116 = arith.addi %parallel_loop3A_115, %parallel_loop3A_50 : i32
      %parallel_loop3A_117 = arith.index_cast %parallel_loop3A_116 : i32 to index
      %parallel_loop3A_118 = tpu.vector_load %arg5[%parallel_loop3A_117] {strides = array<i32>} : memref<8192xf32, #tpu.memory_space<vmem>>, vector<16xf32>,
      %parallel_loop3A_119 = arith.constant 7 : i32
      %parallel_loop3A_120 = arith.index_cast %parallel_loop3A_119 : i32 to index
      %parallel_loop3A_121 = arith.index_cast %parallel_loop3A_50 : i32 to index
      %parallel_loop3A_122 = tpu.vector_load %arg7[%parallel_loop3A_120, %parallel_loop3A_121] {strides = array<i32>} : memref<8x4096xf32, #tpu.memory_space<vmem>>, vector<16xf32>,
      tpu.vector_store %arg7[%parallel_loop3A_120, %parallel_loop3A_121], %parallel_loop3A_118 {strides = array<i32>} : memref<8x4096xf32, #tpu.memory_space<vmem>>, vector<16xf32>,
    } {sc.loop_unroll_factor = 8 : i64, sc.parallel_access}
    %mul3A_33 = arith.constant 8 : i32
    %mul3A_34 = arith.muli %mul3A_33, %sub3A_25 : i32
    %dma_start3A_35 = arith.constant 0 : i32
    %dma_start3A_36 = tpu.memref_slice %arg3[%mul3A_34, %dma_start3A_35] : memref<4096x4096xf32, #tpu.memory_space<hbm>> -> memref<8x4096xf32, #tpu.memory_space<hbm>>
    %dma_start3A_37 = arith.constant 0 : i32
    %dma_start3A_38 = tpu.memref_slice %arg3[%mul3A_34, %dma_start3A_37] : memref<4096x4096xf32, #tpu.memory_space<hbm>> -> memref<8x4096xf32, #tpu.memory_space<hbm>>
    tpu.enqueue_dma source(%arg7 : memref<8x4096xf32, #tpu.memory_space<vmem>>) target(%dma_start3A_38 : memref<8x4096xf32, #tpu.memory_space<hbm>>) target_semaphore(%arg9 : memref<!tpu.dma_semaphore, #tpu.memory_space<semaphore_mem>>)
    %dma_wait3A = arith.constant 0 : i32
    %dma_wait3A_39 = arith.constant 0 : i32
    %dma_wait3A_40 = tpu.memref_slice %arg3[%dma_wait3A, %dma_wait3A_39] : memref<4096x4096xf32, #tpu.memory_space<hbm>> -> memref<8x4096xf32, #tpu.memory_space<hbm>>
    %dma_wait3A_41 = arith.constant 0 : i32
    %dma_wait3A_42 = arith.constant 0 : i32
    %dma_wait3A_43 = tpu.memref_slice %arg3[%dma_wait3A_41, %dma_wait3A_42] : memref<4096x4096xf32, #tpu.memory_space<hbm>> -> memref<8x4096xf32, #tpu.memory_space<hbm>>
    tpu.wait_dma2 semaphore(%arg8 : memref<!tpu.dma_semaphore, #tpu.memory_space<semaphore_mem>>) src(%arg6 : memref<8x4096xf32, #tpu.memory_space<vmem>>) dst(%dma_wait3A_43 : memref<8x4096xf32, #tpu.memory_space<hbm>>)
    %dma_wait3A_44 = arith.constant 0 : i32
    %dma_wait3A_45 = arith.constant 0 : i32
    %dma_wait3A_46 = tpu.memref_slice %arg3[%dma_wait3A_44, %dma_wait3A_45] : memref<4096x4096xf32, #tpu.memory_space<hbm>> -> memref<8x4096xf32, #tpu.memory_space<hbm>>
    %dma_wait3A_47 = arith.constant 0 : i32
    %dma_wait3A_48 = arith.constant 0 : i32
    %dma_wait3A_49 = tpu.memref_slice %arg3[%dma_wait3A_47, %dma_wait3A_48] : memref<4096x4096xf32, #tpu.memory_space<hbm>> -> memref<8x4096xf32, #tpu.memory_space<hbm>>
    tpu.wait_dma2 semaphore(%arg9 : memref<!tpu.dma_semaphore, #tpu.memory_space<semaphore_mem>>) src(%arg7 : memref<8x4096xf32, #tpu.memory_space<vmem>>) dst(%dma_wait3A_49 : memref<8x4096xf32, #tpu.memory_space<hbm>>)
    return
  }
}

</mosaic_0001>

<sc_bundles>
// kernel: kernel.3.cloned.1.call-start
scs
__scs_entry_jumppad:
0x0: {  	(pc) =	sbr.rel $0x88, $3  }
0x1: {  	(tag) =	ssettag $0x0;
	lr =	simm.s32 $0x1  }
0x2: {  	[smem:$0x3FA0] =	sst lr;
	_ =	strace $0xD0000000  }
0x3: {  	_ = 	snop  }
0x4: {  	_ = 	snop  }
0x5: {  	_ = 	snop  }
0x6: {  	_ = 	snop  }
0x7: {  	_ = 	snop  }
__scs_overlays_trampoline_lowered:
0x8: {  	[smem:$0x3FAF] =	sst s0  }
0x9: {  	[smem:$0x3FB0] =	sst s1  }
0xa: {  	[smem:$0x3FB1] =	sst s2  }
0xb: {  	[smem:$0x3FB2] =	sst s3  }
0xc: {  	[smem:$0x3FB3] =	sst s4  }
0xd: {  	[smem:$0x3FB4] =	sst s5  }
0xe: {  	[smem:$0x3FB5] =	sst s6  }
0xf: {  	[smem:$0x3FB6] =	sst s7  }
0x10: {  	[smem:$0x3FB7] =	sst s8  }
0x11: {  	[smem:$0x3FB8] =	sst s9;
	s0 =	simm.s32 @!p0 $0x0  }
0x12: {  	s1 =	sld [smem:$0x3F9E];
	s0 =	simm.s32 @p0 $0x1  }
0x13: {  	[smem:$0x3FB9] =	sst s0;
	s0 =	simm.s32 @!p1 $0x0  }
0x14: {  	s2 =	sld [smem:$0x3F9D];
	s0 =	simm.s32 @p1 $0x1  }
0x15: {  	[smem:$0x3FBA] =	sst s0;
	s0 =	simm.s32 @!p2 $0x0  }
0x16: {  	s3 =	sld [smem:$0x3FDB];
	s0 =	simm.s32 @p2 $0x1  }
0x17: {  	s4 =	simm.s32 $0x1BF5;
	[smem:$0x3FBC] =	sst s0  }
0x18: {  	s0 =	sld [smem:$0x3F9F];
	_ =	swait.ge [sflag:s4], $0x0  }
0x19: {  	s7 =	sld [smem:$0x3FA0]  }
0x1a: {  	s8 =	sadd.s32 $0xFFFFE003, lr  }
0x1b: {  	s9 =	sadd.s32 $0xFFFFFEF7, lr;
	s5 =	simm.s32 $0xFFFFFFFF;
	p2 =	slt.u32 s8, $0xFFFFF086  }
0x1c: {  	p1 =	slt.u32 s9, $0xF7A;
	s5 =	simm.s32 @!p2 $0x0  }
0x1d: {  	s5 =	simm.s32 @p1 $0x1;
	p0 =	seq.s32 s7, s2  }
0x1e: {  	s7 =	smul.u32 @!p0 $0xF7A, s2;
	p2 =	seq.s32 @!p0 s5, $0x0  }
0x1f: {  	s9 =	smul.u32 $0xF7A, s1;
	s8 =	simm.s32 @!p0 $0x1BF5;
	p2 =	por !p2, p0  }
0x20: {  	[sflag:s8] =	ssyncset.s32 @!p0 $0xFFFFF086;
	s6 =	sadd.s32 @!p0 s3, s7;
	s7 =	simm.s32 @!p0 $0x108  }
0x21: {  	s3 =	sadd.s32 s3, s9;
	s6 =	sadd.s32 @!p0 $0x88, s6;
	s7 =	simm.s32 @p2 $0x1082  }
0x22: {  	[simem:s7], [sflag:s8] =	dma.local @!p0 [hbm:s6], $0xF7A  }
0x23: {  	s9 =	sor.u32 $0xD0000000, s2;
	s6 =	simm.s32 $0x108;
	_ =	swait.ge @!p0 [sflag:s8], $0x0  }
0x24: {  	s3 =	sadd.s32 $0x88, s3;
	s6 =	simm.s32 @!p1 $0x1082;
	[sflag:s4] =	ssyncset.s32 $0xFFFFF086  }
0x25: {  	[simem:s6], [sflag:s4] =	dma.local [hbm:s3], $0xF7A  }
0x26: {  	[smem:$0x3FA0] =	sst s1;
	(tag) =	ssettag s2;
	_ =	strace s9  }
0x27: {  	s1 =	sld [smem:$0x3FB0]  }
0x28: {  	s2 =	sld [smem:$0x3FB1]  }
0x29: {  	s4 =	sld [smem:$0x3FB3]  }
0x2a: {  	p0 =	seq.s32 s5, $0x0;
	s5 =	sld [smem:$0x3FB4]  }
0x2b: {  	s6 =	sld [smem:$0x3FB5]  }
0x2c: {  	s7 =	sld [smem:$0x3FB6]  }
0x2d: {  	s3 =	simm.s32 $0x108;
	s8 =	sld [smem:$0x3FB7]  }
0x2e: {  	s3 =	simm.s32 @!p0 $0x1082;
	s9 =	sld [smem:$0x3FB8]  }
0x2f: {  	lr =	sadd.s32 s0, s3;
	s0 =	sld [smem:$0x3FAF]  }
0x30: {  	s3 =	sld [smem:$0x3FB2]  }
0x31: {  	[smem:$0x3FBB] =	sst s10  }
0x32: {  	s10 =	sld [smem:$0x3FB9];
	_ =	sdelay $0x3  }
0x33: {  	p0 =	seq.s32 s10, $0x1;
	s10 =	sld [smem:$0x3FBB];
	_ =	sdelay $0x3  }
0x34: {  	[smem:$0x3FBB] =	sst s10  }
0x35: {  	s10 =	sld [smem:$0x3FBA];
	_ =	sdelay $0x3  }
0x36: {  	p1 =	seq.s32 s10, $0x1;
	s10 =	sld [smem:$0x3FBB];
	_ =	sdelay $0x3  }
0x37: {  	[smem:$0x3FBB] =	sst s10  }
0x38: {  	s10 =	sld [smem:$0x3FBC]  }
0x39: {  	_ = 	snop;
	(pc) =	sbr.ind lr, $3  }
0x3a: {  	_ = 	snop  }
0x3b: {  	_ = 	snop  }
0x3c: {  	p2 =	seq.s32 s10, $0x1;
	s10 =	sld [smem:$0x3FBB]  }
0x3d: {  	_ =	shalt  }
0x3e: {  	_ =	shalt  }
0x3f: {  	_ =	shalt  }
0x40: {  	_ =	shalt  }
0x41: {  	_ =	shalt  }
0x42: {  	_ =	shalt  }
0x43: {  	_ =	shalt  }
0x44: {  	_ =	shalt  }
0x45: {  	_ =	shalt  }
0x46: {  	_ =	shalt  }
0x47: {  	_ =	shalt  }
0x48: {  	_ =	shalt  }
0x49: {  	_ =	shalt  }
0x4a: {  	_ =	shalt  }
0x4b: {  	_ =	shalt  }
0x4c: {  	_ =	shalt  }
0x4d: {  	_ =	shalt  }
0x4e: {  	_ =	shalt  }
0x4f: {  	_ =	shalt  }
0x50: {  	_ =	shalt  }
0x51: {  	_ =	shalt  }
0x52: {  	_ =	shalt  }
0x53: {  	_ =	shalt  }
0x54: {  	_ =	shalt  }
0x55: {  	_ =	shalt  }
0x56: {  	_ =	shalt  }
0x57: {  	_ =	shalt  }
0x58: {  	_ =	shalt  }
0x59: {  	_ =	shalt  }
0x5a: {  	_ =	shalt  }
0x5b: {  	_ =	shalt  }
0x5c: {  	_ =	shalt  }
0x5d: {  	_ =	shalt  }
0x5e: {  	_ =	shalt  }
0x5f: {  	_ =	shalt  }
0x60: {  	_ =	shalt  }
0x61: {  	_ =	shalt  }
0x62: {  	_ =	shalt  }
0x63: {  	_ =	shalt  }
0x64: {  	_ =	shalt  }
0x65: {  	_ =	shalt  }
0x66: {  	_ =	shalt  }
0x67: {  	_ =	shalt  }
0x68: {  	_ =	shalt  }
0x69: {  	_ =	shalt  }
0x6a: {  	_ =	shalt  }
0x6b: {  	_ =	shalt  }
0x6c: {  	_ =	shalt  }
0x6d: {  	_ =	shalt  }
0x6e: {  	_ =	shalt  }
0x6f: {  	_ =	shalt  }
0x70: {  	_ =	shalt  }
0x71: {  	_ =	shalt  }
0x72: {  	_ =	shalt  }
0x73: {  	_ =	shalt  }
0x74: {  	_ =	shalt  }
0x75: {  	_ =	shalt  }
0x76: {  	_ =	shalt  }
0x77: {  	_ =	shalt  }
0x78: {  	_ =	shalt  }
0x79: {  	_ =	shalt  }
0x7a: {  	_ =	shalt  }
0x7b: {  	_ =	shalt  }
0x7c: {  	_ =	shalt  }
0x7d: {  	_ =	shalt  }
0x7e: {  	_ =	shalt  }
0x7f: {  	_ =	shalt  }
0x80: {  	_ =	shalt  }
0x81: {  	_ =	shalt  }
0x82: {  	_ =	shalt  }
0x83: {  	_ =	shalt  }
0x84: {  	_ =	shalt  }
0x85: {  	_ =	shalt  }
0x86: {  	_ =	shalt  }
0x87: {  	_ =	shalt  }
.Lfunc_end0:
.L_simem_size_0:
called_computation_lowered:
.L_overlay_start_0:
0x88: {  	s2 =	sld [smem:$0x3FD9]  }
0x89: {  	s3 =	sld [smem:$0x3FFE];
	_ =	sdelay $0x1  }
0x8a: {  	s1 =	srdreg.scid  }
0x8b: {  	s0 =	sand.u32 $0x1, s1  }
0x8c: {  	s18 =	sshll.u32 s0, $0xA;
	s2 =	sadd.s32 s3, s2  }
0x8d: {  	s2 =	sadd.s32 s2, s18  }
0x8e: {  	[smem:$0x3FC7] =	sst s2  }
0x8f: {  	_ = 	snop  }
0x90: {  	s2 =	sld [smem:$0x3FC9]  }
0x91: {  	s19 =	sld [smem:$0x3FD0];
	(tm) =	ssettm $0x1  }
0x92: {  	s4 =	sld [smem:$0x3FFB];
	_ =	sdelay $0x3  }
0x93: {  	_ =	strace s4  }
0x94: {  	s4 =	sld [smem:$0x3FFC];
	_ =	sdelay $0x3  }
0x95: {  	_ =	strace s4  }
0x96: {  	s4 =	sld [smem:$0x3FFD];
	_ =	sdelay $0x3  }
0x97: {  	_ =	strace s4  }
0x98: {  	_ =	strace $0x8FFFFFFF  }
0x99: {  	s20 =	sld [smem:$0x3FDB];
	_ =	sdelay $0x1  }
0x9a: {  	s5 =	simm.s32 $_scs_section_size  }
0x9b: {  	s6 =	simm.s32 $_size__tile_overlayer_lowered;
	s7 =	simm.s32 $_tile_overlayer_lowered  }
0x9c: {  	s23 =	simm.s32 $0x1BFF;
	s22 =	sshll.u32 s7, $0x1;
	s4 =	sadd.s32 s5, s20  }
0x9d: {  	s8 =	simm.s32 $0x0;
	s21 =	sshll.u32 s6, $0x1;
	s6 =	sadd.s32 s22, s4  }
0x9e: {  	[timem:s8], [sflag:s23] =	dma.local [hbm:s6], s21  }
0x9f: {  	_ =	swait.ge [sflag:s23], s21  }
0xa0: {  	s5 =	ssub.s32 $0x0, s21;
	[sflag:s23] =	ssyncset.done $0x0  }
0xa1: {  	[sflag:s23] =	ssyncadd.s32 s5;
	_ =	sdelay $0x1  }
0xa2: {  	s24 =	simm.s32 $0x1B8B  }
0xa3: {  	_ =	swait.ge [sflag:s24], $0x1  }
0xa4: {  	[sflag:s24] =	ssyncset.done $0x0  }
0xa5: {  	s25 =	simm.s32 $0x1B8E;
	[sflag:s24] =	ssyncadd.s32 $0xFFFFFFFF  }
0xa6: {  	s26 =	simm.s32 $execute0_lowered;
	[smem:$0x3FD2] =	sst s25  }
0xa7: {  	s5 =	sshll.u32 s26, $0x1;
	_ =	strace $0x80000046;
	[dreg:$0x1] =	wrdreg $0xFFFFFFFF  }
0xa8: {  	s28 =	simm.s32 $_size_execute0_lowered;
	s4 =	sadd.s32 s4, s5;
	[dreg:$0x0] =	wrdreg $0x0  }
0xa9: {  	s5 =	sshll.u32 s28, $0x1;
	[dreg:$0x2] =	wrdreg s4  }
0xaa: {  	[dreg:$0x3] =	wrdreg s5  }
0xab: {  	[dreg:$0x4] =	wrdreg $0xC0  }
0xac: {  	_ =	task [dreg:s8], $0x5FFFF  }
0xad: {  	[dreg:$0x1] =	wrdreg $0xFFFFFFFF  }
0xae: {  	[dreg:$0x0] =	wrdreg $0x60  }
0xaf: {  	[dreg:$0x2] =	wrdreg s2  }
0xb0: {  	[dreg:$0x3] =	wrdreg s19  }
0xb1: {  	[dreg:$0x4] =	wrdreg $0x9  }
0xb2: {  	_ =	task.clear_ibuf [dreg:s8], $0x5FFFF;
	_ =	strace $0x90000046  }
0xb3: {  	s29 =	simm.s32 $0x9;
	_ =	strace $0x80000048  }
0xb4: {  	_ =	swait.ge [sflag:s29], $0x1  }
0xb5: {  	[sflag:s29] =	ssyncadd.s32 $0xFFFFFFFF  }
0xb6: {  	_ =	strace $0x90000048  }
0xb7: {  	_ =	sfence  }
0xb8: {  	s30 =	sld [smem:$0x0];
	_ =	sdelay $0x2  }
0xb9: {  	s31 =	sshll.u32 s1, $0xD;
	s1 =	sshrl.u32 s1, $0x2  }
0xba: {  	s3 =	sand.u32 $0x4000, s31;
	s1 =	sadd.s32 s1, s30  }
0xbb: {  	s0 =	sor.u32 s3, s0;
	s1 =	sshll.u32 s1, $0x11  }
0xbc: {  	s0 =	sor.u32 s1, s0  }
0xbd: {  	s0 =	sadd.s32 $0x8F2B, s0  }
0xbe: {  	[sflag:s0] =	ssyncadd.remote.s32 $0x1  }
0xbf: {  	_ =	sfence.sel $0xFFFF  }
0xc0: {  	[dreg:$0x0] =	wrdreg $0xFFFFFFFF;
	(pc) =	sbr.abs _section_cstart, $3  }
0xc1: {  	[dreg:$0x1] =	wrdreg $0xFFFFFFFF  }
0xc2: {  	_ =	task.clear_ibuf [dreg:s8], $0x2FFFF;
	_ =	strace $0x9FFFFFFF  }
0xc3: {  	(tm) =	ssettm $0x7FFFFFFF  }
tec
execute0_lowered:
.L_overlay_start_1:
0x0: {  	(tag) =	ssettag $0x1  }
0x1: {  	s0 =	rddreg [dreg:$0x1]  }
0x2: {  	s1 =	srdreg.scid;
	s6 =	stileid.u32;
	s21 =	simm.s32 $0x0  }
0x3: {  	s1 =	sand.u32 $0x1, s1;
	s3 =	sshll.u32 s6, $0x1;
	[smem:$0x7FF] =	sst s21  }
0x4: {  	s8 =	sadd.s32 $0x1000, s0;
	s10 =	sshll.u32 s6, $0x8;
	s2 =	ssub.s32 $0x2, s1  }
0x5: {  	s3 =	sor.u32 s1, s3;
	_ =	strace $0x80000047;
	s30 =	sshll.u32 s1, $0x9  }
0x6: {  	[dreg:$0x5] =	wrdreg s8;
	s1 =	sshll.u32 s1, $0x7;
	s29 =	sshll.u32 s3, $0x7  }
0x7: {  	s5 =	sshll.u32 s3, $0x4;
	s3 =	sshll.u32 s3, $0x10;
	s1 =	sor.u32 s10, s1  }
0x8: {  	[dreg:$0x3] =	wrdreg s5;
	s7 =	sadd.s32 s0, s3;
	s0 =	sadd.s32 $0x2000, s0  }
0x9: {  	s13 =	sxor.u32 $0xFF7, s1;
	[dreg:$0x6] =	wrdreg s0  }
0xa: {  	s14 =	sxor.u32 $0xFF6, s1;
	[dreg:$0xa] =	wrdreg s13  }
0xb: {  	s15 =	sxor.u32 $0xFF5, s1;
	[dreg:$0xb] =	wrdreg s14  }
0xc: {  	s16 =	sxor.u32 $0xFF4, s1;
	[dreg:$0xc] =	wrdreg s15  }
0xd: {  	s17 =	sxor.u32 $0xFF3, s1;
	[dreg:$0xd] =	wrdreg s16  }
0xe: {  	s18 =	sxor.u32 $0xFF2, s1;
	[dreg:$0xe] =	wrdreg s17  }
0xf: {  	s31 =	sshll.u32 s6, $0xA;
	s19 =	sxor.u32 $0xFF1, s1;
	[dreg:$0xf] =	wrdreg s18  }
0x10: {  	s9 =	sor.u32 s31, s30;
	s20 =	sxor.u32 $0xFF0, s1;
	[dreg:$0x10] =	wrdreg s19  }
0x11: {  	s22 =	ssub.s32 $0x4000, s9;
	[dreg:$0x11] =	wrdreg s20  }
0x12: {  	s23 =	sxor.u32 $0xFEE, s1;
	[dreg:$0x12] =	wrdreg s22  }
0x13: {  	s24 =	sxor.u32 $0xFED, s1;
	[dreg:$0x13] =	wrdreg s23  }
0x14: {  	s25 =	sxor.u32 $0xFEC, s1;
	[dreg:$0x14] =	wrdreg s24  }
0x15: {  	s4 =	sshrl.u32 s2, $0x1;
	s26 =	ssub.s32 $0x417C, s9;
	[dreg:$0x15] =	wrdreg s25  }
0x16: {  	s2 =	ssub.s32 s2, s4;
	s28 =	sxor.u32 $0xFEB, s1;
	[dreg:$0x16] =	wrdreg s26  }
0x17: {  	s4 =	sxor.u32 $0xFFF, s29;
	s29 =	sxor.u32 $0xFEA, s1;
	[dreg:$0x17] =	wrdreg s28  }
0x18: {  	s30 =	sxor.u32 $0xFE9, s1;
	[dreg:$0x18] =	wrdreg s29  }
0x19: {  	s1 =	sxor.u32 $0xFE8, s1;
	[dreg:$0x19] =	wrdreg s30  }
0x1a: {  	[dreg:$0x1a] =	wrdreg s1  }
0x1b: {  	s3 =	ssub.s32 $0x41B8, s9;
	s2 =	smax.u32 s2, $0x1;
	[dreg:$0x4] =	wrdreg s7  }
0x1c: {  	s11 =	sshrl.u32 s3, $0x2;
	s12 =	sadd.s32 $0x1040, s4;
	[dreg:$0x7] =	wrdreg s2  }
0x1d: {  	v0 =	vlaneseq.u32;
	s0 =	sxor.u32 $0x3FDC, s9;
	s31 =	sadd.s32 $0xF000, s7;
	[dreg:$0x8] =	wrdreg s12  }
0x1e: {  	v1 =	vmul.u32 $0xFFFFFFFF, v0;
	s2 =	sadd.s32 $0x1000, s11;
	s0 =	sshrl.u32 s0, $0x2;
	[dreg:$0x1c] =	wrdreg s31  }
0x1f: {  	[dreg:$0x9] =	wrdreg s2;
	s0 =	sor.u32 $0x1000, s0  }
0x20: {  	v0 =	vadd.s32 $0xFFF, v0;
	v1 =	vadd.s32 $0xFFF, v1;
	s3 =	simm.s32 $0x0;
	[dreg:$0x1b] =	wrdreg s0;
	s0 =	simm.s32 $0x1000  }
.LBB2_1:
0x21: {  	[dreg:$0x1d] =	wrdreg s3  }
0x22: {  	s1 =	rddreg [dreg:$0x0];
	s29 =	simm.s32 $0x3  }
0x23: {  	[tilespmem:s21], [sflag:$0x3] =	stream.linear.gather [hbm4b:s1+s21], $0x1000, $0x38;
	[tilespmem:$0x13000] =	vst v63  }
0x24: {  	_ =	swait.ge [sflag:s29], $0x1000  }
0x25: {  	[sflag:s29] =	ssyncset.done $0x0  }
0x26: {  	s30 =	simm.s32 $0x0;
	[sflag:s29] =	ssyncadd.s32 $0xFFFFF000  }
0x27: {  	v7 =	vadd.s32 s30, v0;
	v2 =	vld [tilespmem:s21+$0x0]  }
0x28: {  	s31 =	simm.s32 $0x10;
	v3 =	vmov s30  }
0x29: {  	v5 =	vsub.s32 v1, v3;
	v3 =	vld [tilespmem:s31+$0x0]  }
0x2a: {  	s2 =	simm.s32 $0x10  }
0x2b: {  	v6 =	vmov s2  }
0x2c: {  	s3 =	simm.s32 $0x20;
	v4 =	vadd.s32 s2, v0;
	v6 =	vsub.s32 v1, v6;
	[tilespmem:v7+s0+$0x0] =	vst.idx.msk $0xffff, v2  }
.LBB2_2:
0x2d: {  	s2 =	sadd.s32 $0x10, s2  }
0x2e: {  	[tilespmem:v5+s0+$0x0] =	vst.idx.msk $0xffff, v2;
	s1 =	simm.s32 $0x3200;
	v2 =	vmov v3;
	v3 =	vld [tilespmem:s3+$0x0];
	v5 =	vmov v6;
	p0 =	slt.u32 s2, $0xFF0  }
.Ltmp0:
0x2f: {  	v6 =	vmov s2;
	v7 =	vadd.s32 s2, v0;
	(pc) =	sbr.rel @p0 .LBB2_2-.Ltmp0, $2  }
0x30: {  	v6 =	vsub.s32 v1, v6;
	_ =	sdelay $0x2  }
0x31: {  	s3 =	sadd.s32 $0x10, s3;
	[tilespmem:v4+s0+$0x0] =	vst.idx.msk $0xffff, v2;
	v4 =	vmov v7  }
0x32: {  	_ =	sdelay $0x3  }
0x33: {  	[tilespmem:v5+s0+$0x0] =	vst.idx.msk $0xffff, v2  }
0x34: {  	[tilespmem:v4+s0+$0x0] =	vst.idx.msk $0xffff, v3  }
0x35: {  	[tilespmem:v6+s0+$0x0] =	vst.idx.msk $0xffff, v3  }
0x36: {  	s3 =	rddreg [dreg:$0x8]  }
0x37: {  	v2 =	vld [tilespmem:s3+$0x30]  }
0x38: {  	v3 =	vld [tilespmem:s3+$0xFFFFFFD0]  }
0x39: {  	v4 =	vld [tilespmem:s3+$0xFFFFFFE0]  }
0x3a: {  	v5 =	vld [tilespmem:s3+$0xFFFFFFF0]  }
0x3b: {  	v6 =	vld [tilespmem:s3+$0x0]  }
0x3c: {  	v7 =	vld [tilespmem:s3+$0x10];
	[tilespmem:s1+$0xFFFFFE70] =	vst v2  }
0x3d: {  	[tilespmem:s1+$0xFFFFFE10] =	vst v3;
	v3 =	vld [tilespmem:s3+$0x20]  }
0x3e: {  	s4 =	rddreg [dreg:$0x9];
	[tilespmem:s1+$0xFFFFFE20] =	vst v4;
	v4 =	vld [tilespmem:s3+$0xFFFFFFC0]  }
0x3f: {  	[tilespmem:s1+$0xFFFFFE30] =	vst v5;
	v2 =	vld [tilespmem:s4+$0x0]  }
0x40: {  	[tilespmem:s1+$0xFFFFFE40] =	vst v6;
	v5 =	vld [tilespmem:s4+$0xFFFFFFA0]  }
0x41: {  	[tilespmem:s1+$0xFFFFFE50] =	vst v7;
	v6 =	vld [tilespmem:s4+$0xFFFFFFB0]  }
0x42: {  	v7 =	vld [tilespmem:s4+$0xFFFFFFC0];
	[tilespmem:s1+$0xFFFFFE60] =	vst v3  }
0x43: {  	v3 =	vld [tilespmem:s4+$0xFFFFFFD0];
	[tilespmem:s1+$0xFFFFFE00] =	vst v4  }
0x44: {  	[tilespmem:s1+$0xFFFFFEF0] =	vst v2;
	v4 =	vld [tilespmem:s4+$0xFFFFFF90]  }
0x45: {  	[tilespmem:s1+$0xFFFFFE90] =	vst v5;
	v5 =	vld [tilespmem:s4+$0xFFFFFFE0]  }
0x46: {  	[tilespmem:s1+$0xFFFFFEA0] =	vst v6;
	v2 =	vld [tilespmem:s4+$0xFFFFFFFF]  }
0x47: {  	[tilespmem:s1+$0xFFFFFEB0] =	vst v7;
	v6 =	vld [tilespmem:s4+$0xFFFFFFF0]  }
0x48: {  	v7 =	vld [tilespmem:s4+$0xFFFFFF9F];
	[tilespmem:s1+$0xFFFFFEC0] =	vst v3  }
0x49: {  	v3 =	vld [tilespmem:s4+$0xFFFFFFAF];
	[tilespmem:s1+$0xFFFFFE80] =	vst v4  }
0x4a: {  	[tilespmem:s1+$0xFFFFFED0] =	vst v5;
	v5 =	vld [tilespmem:s4+$0xFFFFFFBF]  }
0x4b: {  	[tilespmem:s1+$0xFFFFFF70] =	vst v2;
	v4 =	vld [tilespmem:s4+$0xFFFFFF8F]  }
0x4c: {  	[tilespmem:s1+$0xFFFFFEE0] =	vst v6;
	v2 =	vld [tilespmem:s4+$0xFFFFFFFE]  }
0x4d: {  	v6 =	vld [tilespmem:s4+$0xFFFFFFCF];
	[tilespmem:s1+$0xFFFFFF10] =	vst v7  }
0x4e: {  	v7 =	vld [tilespmem:s4+$0xFFFFFFDF];
	[tilespmem:s1+$0xFFFFFF20] =	vst v3  }
0x4f: {  	v3 =	vld [tilespmem:s4+$0xFFFFFFEF];
	[tilespmem:s1+$0xFFFFFF30] =	vst v5  }
0x50: {  	v5 =	vld [tilespmem:s4+$0xFFFFFF9E];
	[tilespmem:s1+$0xFFFFFF00] =	vst v4  }
0x51: {  	[tilespmem:s1+$0xFFFFFFF0] =	vst v2;
	v4 =	vld [tilespmem:s4+$0xFFFFFF8E]  }
0x52: {  	[tilespmem:s1+$0xFFFFFF40] =	vst v6;
	v2 =	vld [tilespmem:s4+$0xFFFFFFFD]  }
0x53: {  	v6 =	vld [tilespmem:s4+$0xFFFFFFAE];
	[tilespmem:s1+$0xFFFFFF50] =	vst v7  }
0x54: {  	v7 =	vld [tilespmem:s4+$0xFFFFFFBE];
	[tilespmem:s1+$0xFFFFFF60] =	vst v3  }
0x55: {  	v3 =	vld [tilespmem:s4+$0xFFFFFFCE];
	[tilespmem:s1+$0xFFFFFF90] =	vst v5  }
0x56: {  	v5 =	vld [tilespmem:s4+$0xFFFFFFEE];
	[tilespmem:s1+$0xFFFFFF80] =	vst v4  }
0x57: {  	v4 =	vld [tilespmem:s4+$0xFFFFFFDE];
	[tilespmem:s1+$0x70] =	vst v2  }
0x58: {  	[tilespmem:s1+$0xFFFFFFA0] =	vst v6;
	v2 =	vld [tilespmem:s4+$0xFFFFFFFC]  }
0x59: {  	[tilespmem:s1+$0xFFFFFFB0] =	vst v7;
	v7 =	vld [tilespmem:s4+$0xFFFFFF9D]  }
0x5a: {  	v6 =	vld [tilespmem:s4+$0xFFFFFF8D];
	[tilespmem:s1+$0xFFFFFFC0] =	vst v3  }
0x5b: {  	v3 =	vld [tilespmem:s4+$0xFFFFFFAD];
	[tilespmem:s1+$0xFFFFFFE0] =	vst v5  }
0x5c: {  	v5 =	vld [tilespmem:s4+$0xFFFFFFCD];
	[tilespmem:s1+$0xFFFFFFD0] =	vst v4  }
0x5d: {  	v4 =	vld [tilespmem:s4+$0xFFFFFFBD];
	[tilespmem:s1+$0xF0] =	vst v2  }
0x5e: {  	[tilespmem:s1+$0x10] =	vst v7;
	v2 =	vld [tilespmem:s4+$0xFFFFFFFB]  }
0x5f: {  	v7 =	vld [tilespmem:s4+$0xFFFFFFED];
	[tilespmem:s1+$0x0] =	vst v6  }
0x60: {  	v6 =	vld [tilespmem:s4+$0xFFFFFFDD];
	[tilespmem:s1+$0x20] =	vst v3  }
0x61: {  	v3 =	vld [tilespmem:s4+$0xFFFFFF8C];
	[tilespmem:s1+$0x40] =	vst v5  }
0x62: {  	[tilespmem:s1+$0x30] =	vst v4;
	v4 =	vld [tilespmem:s4+$0xFFFFFF9C]  }
0x63: {  	v5 =	vld [tilespmem:s4+$0xFFFFFFAC];
	[tilespmem:s1+$0x170] =	vst v2  }
0x64: {  	[tilespmem:s1+$0x60] =	vst v7;
	v2 =	vld [tilespmem:s4+$0xFFFFFFFA]  }
0x65: {  	v7 =	vld [tilespmem:s4+$0xFFFFFFCC];
	[tilespmem:s1+$0x50] =	vst v6  }
0x66: {  	v6 =	vld [tilespmem:s4+$0xFFFFFFBC];
	[tilespmem:s1+$0x80] =	vst v3  }
0x67: {  	v3 =	vld [tilespmem:s4+$0xFFFFFFEC];
	[tilespmem:s1+$0x90] =	vst v4  }
0x68: {  	[tilespmem:s1+$0xA0] =	vst v5;
	v5 =	vld [tilespmem:s4+$0xFFFFFF9B]  }
0x69: {  	[tilespmem:s1+$0x1F0] =	vst v2;
	v2 =	vld [tilespmem:s4+$0xFFFFFFDC]  }
0x6a: {  	[tilespmem:s1+$0xC0] =	vst v7;
	v4 =	vld [tilespmem:s4+$0xFFFFFF8B]  }
0x6b: {  	v8 =	vld [tilespmem:s4+$0xFFFFFFCB];
	[tilespmem:s1+$0xB0] =	vst v6  }
0x6c: {  	v6 =	vld [tilespmem:s4+$0xFFFFFFAB];
	[tilespmem:s1+$0xE0] =	vst v3  }
0x6d: {  	v7 =	vld [tilespmem:s4+$0xFFFFFFBB];
	[tilespmem:s1+$0x110] =	vst v5  }
0x6e: {  	v5 =	vld [tilespmem:s4+$0xFFFFFFEB];
	[tilespmem:s1+$0xD0] =	vst v2  }
0x6f: {  	[tilespmem:s1+$0x100] =	vst v4;
	v4 =	vld [tilespmem:s4+$0xFFFFFFDB]  }
0x70: {  	[tilespmem:s1+$0x140] =	vst v8;
	v9 =	vld [tilespmem:s4+$0xFFFFFF8A]  }
0x71: {  	[tilespmem:s1+$0x120] =	vst v6;
	v6 =	vld [tilespmem:s4+$0xFFFFFF9A]  }
0x72: {  	[tilespmem:s1+$0x130] =	vst v7;
	v2 =	vld [tilespmem:s4+$0xFFFFFFAA]  }
0x73: {  	v3 =	vld [tilespmem:s4+$0xFFFFFFBA];
	[tilespmem:s1+$0x160] =	vst v5  }
0x74: {  	[tilespmem:s1+$0x150] =	vst v4;
	v4 =	vld [tilespmem:s4+$0xFFFFFFCA]  }
0x75: {  	[tilespmem:s1+$0x180] =	vst v9;
	v5 =	vld [tilespmem:s4+$0xFFFFFFDA]  }
0x76: {  	s2 =	simm.s32 $0x0;
	s3 =	sadd.s32 $0x80, s3;
	[tilespmem:s1+$0x190] =	vst v6;
	v6 =	vld [tilespmem:s4+$0xFFFFFFEA]  }
.LBB2_4:
0x77: {  	v7 =	vld [tilespmem:s3+$0x30];
	s2 =	sadd.s32 $0x80, s2;
	[tilespmem:s1+$0x1A0] =	vst v2  }
0x78: {  	v2 =	vld [tilespmem:s3+$0xFFFFFFD0];
	p0 =	slt.u32 s2, $0xF80;
	[tilespmem:s1+$0x1B0] =	vst v3  }
0x79: {  	v3 =	vld [tilespmem:s3+$0xFFFFFFE0];
	[tilespmem:s1+$0x1C0] =	vst v4  }
0x7a: {  	v4 =	vld [tilespmem:s3+$0xFFFFFFF0];
	[tilespmem:s1+$0x1D0] =	vst v5  }
0x7b: {  	v5 =	vld [tilespmem:s3+$0x0];
	[tilespmem:s1+$0x1E0] =	vst v6;
	s1 =	sadd.s32 $0x400, s1  }
0x7c: {  	s4 =	sadd.s32 $0x80, s4;
	v6 =	vld [tilespmem:s3+$0x10];
	[tilespmem:s1+$0xFFFFFE70] =	vst v7  }
0x7d: {  	[tilespmem:s1+$0xFFFFFE10] =	vst v2;
	v2 =	vld [tilespmem:s4+$0x0]  }
0x7e: {  	[tilespmem:s1+$0xFFFFFE20] =	vst v3;
	v3 =	vld [tilespmem:s3+$0x20]  }
0x7f: {  	v7 =	vld [tilespmem:s3+$0xFFFFFFC0];
	[tilespmem:s1+$0xFFFFFE30] =	vst v4  }
0x80: {  	v4 =	vld [tilespmem:s4+$0xFFFFFFA0];
	[tilespmem:s1+$0xFFFFFE40] =	vst v5  }
0x81: {  	v5 =	vld [tilespmem:s4+$0xFFFFFFB0];
	[tilespmem:s1+$0xFFFFFE50] =	vst v6  }
0x82: {  	v6 =	vld [tilespmem:s4+$0xFFFFFFC0];
	[tilespmem:s1+$0xFFFFFEF0] =	vst v2  }
0x83: {  	[tilespmem:s1+$0xFFFFFE60] =	vst v3;
	v2 =	vld [tilespmem:s4+$0xFFFFFFFF]  }
0x84: {  	[tilespmem:s1+$0xFFFFFE00] =	vst v7;
	v3 =	vld [tilespmem:s4+$0xFFFFFFD0]  }
0x85: {  	v7 =	vld [tilespmem:s4+$0xFFFFFF90];
	[tilespmem:s1+$0xFFFFFE90] =	vst v4  }
0x86: {  	[tilespmem:s1+$0xFFFFFEA0] =	vst v5;
	v4 =	vld [tilespmem:s4+$0xFFFFFFE0]  }
0x87: {  	[tilespmem:s1+$0xFFFFFEB0] =	vst v6;
	v5 =	vld [tilespmem:s4+$0xFFFFFFF0]  }
0x88: {  	v6 =	vld [tilespmem:s4+$0xFFFFFF9F];
	[tilespmem:s1+$0xFFFFFF70] =	vst v2  }
0x89: {  	[tilespmem:s1+$0xFFFFFEC0] =	vst v3;
	v2 =	vld [tilespmem:s4+$0xFFFFFFFE]  }
0x8a: {  	[tilespmem:s1+$0xFFFFFE80] =	vst v7;
	v3 =	vld [tilespmem:s4+$0xFFFFFFAF]  }
0x8b: {  	v7 =	vld [tilespmem:s4+$0xFFFFFF8F];
	[tilespmem:s1+$0xFFFFFED0] =	vst v4  }
0x8c: {  	v4 =	vld [tilespmem:s4+$0xFFFFFFBF];
	[tilespmem:s1+$0xFFFFFEE0] =	vst v5  }
0x8d: {  	[tilespmem:s1+$0xFFFFFF10] =	vst v6;
	v5 =	vld [tilespmem:s4+$0xFFFFFFCF]  }
0x8e: {  	v6 =	vld [tilespmem:s4+$0xFFFFFFDF];
	[tilespmem:s1+$0xFFFFFFF0] =	vst v2  }
0x8f: {  	[tilespmem:s1+$0xFFFFFF20] =	vst v3;
	v2 =	vld [tilespmem:s4+$0xFFFFFFFD]  }
0x90: {  	[tilespmem:s1+$0xFFFFFF00] =	vst v7;
	v3 =	vld [tilespmem:s4+$0xFFFFFFEF]  }
0x91: {  	v7 =	vld [tilespmem:s4+$0xFFFFFF8E];
	[tilespmem:s1+$0xFFFFFF30] =	vst v4  }
0x92: {  	v4 =	vld [tilespmem:s4+$0xFFFFFF9E];
	[tilespmem:s1+$0xFFFFFF40] =	vst v5  }
0x93: {  	v5 =	vld [tilespmem:s4+$0xFFFFFFAE];
	[tilespmem:s1+$0xFFFFFF50] =	vst v6  }
0x94: {  	v6 =	vld [tilespmem:s4+$0xFFFFFFBE];
	[tilespmem:s1+$0x70] =	vst v2  }
0x95: {  	[tilespmem:s1+$0xFFFFFF60] =	vst v3;
	v2 =	vld [tilespmem:s4+$0xFFFFFFFC]  }
0x96: {  	[tilespmem:s1+$0xFFFFFF80] =	vst v7;
	v3 =	vld [tilespmem:s4+$0xFFFFFFCE]  }
0x97: {  	[tilespmem:s1+$0xFFFFFF90] =	vst v4;
	v4 =	vld [tilespmem:s4+$0xFFFFFFDE]  }
0x98: {  	[tilespmem:s1+$0xFFFFFFA0] =	vst v5;
	v5 =	vld [tilespmem:s4+$0xFFFFFFEE]  }
0x99: {  	v7 =	vld [tilespmem:s4+$0xFFFFFF8D];
	[tilespmem:s1+$0xFFFFFFB0] =	vst v6  }
0x9a: {  	v6 =	vld [tilespmem:s4+$0xFFFFFF9D];
	[tilespmem:s1+$0xF0] =	vst v2  }
0x9b: {  	[tilespmem:s1+$0xFFFFFFC0] =	vst v3;
	v2 =	vld [tilespmem:s4+$0xFFFFFFFB]  }
0x9c: {  	v3 =	vld [tilespmem:s4+$0xFFFFFFAD];
	[tilespmem:s1+$0xFFFFFFD0] =	vst v4  }
0x9d: {  	v4 =	vld [tilespmem:s4+$0xFFFFFFBD];
	[tilespmem:s1+$0xFFFFFFE0] =	vst v5  }
0x9e: {  	[tilespmem:s1+$0x0] =	vst v7;
	v5 =	vld [tilespmem:s4+$0xFFFFFFCD]  }
0x9f: {  	[tilespmem:s1+$0x10] =	vst v6;
	v6 =	vld [tilespmem:s4+$0xFFFFFFDD]  }
0xa0: {  	v7 =	vld [tilespmem:s4+$0xFFFFFFED];
	[tilespmem:s1+$0x170] =	vst v2  }
0xa1: {  	[tilespmem:s1+$0x20] =	vst v3;
	v2 =	vld [tilespmem:s4+$0xFFFFFFFA]  }
0xa2: {  	v3 =	vld [tilespmem:s4+$0xFFFFFF8C];
	[tilespmem:s1+$0x30] =	vst v4  }
0xa3: {  	v4 =	vld [tilespmem:s4+$0xFFFFFF9C];
	[tilespmem:s1+$0x40] =	vst v5  }
0xa4: {  	v5 =	vld [tilespmem:s4+$0xFFFFFFAC];
	[tilespmem:s1+$0x50] =	vst v6  }
0xa5: {  	v6 =	vld [tilespmem:s4+$0xFFFFFFBC];
	[tilespmem:s1+$0x60] =	vst v7  }
0xa6: {  	v7 =	vld [tilespmem:s4+$0xFFFFFFCC];
	[tilespmem:s1+$0x1F0] =	vst v2  }
0xa7: {  	[tilespmem:s1+$0x80] =	vst v3;
	v2 =	vld [tilespmem:s4+$0xFFFFFFDC]  }
0xa8: {  	[tilespmem:s1+$0x90] =	vst v4;
	v3 =	vld [tilespmem:s4+$0xFFFFFFEC]  }
0xa9: {  	v4 =	vld [tilespmem:s4+$0xFFFFFF8B];
	[tilespmem:s1+$0xA0] =	vst v5  }
0xaa: {  	v5 =	vld [tilespmem:s4+$0xFFFFFF9B];
	[tilespmem:s1+$0xB0] =	vst v6  }
0xab: {  	v6 =	vld [tilespmem:s4+$0xFFFFFFAB];
	[tilespmem:s1+$0xC0] =	vst v7  }
0xac: {  	v7 =	vld [tilespmem:s4+$0xFFFFFFBB];
	[tilespmem:s1+$0xD0] =	vst v2  }
0xad: {  	v8 =	vld [tilespmem:s4+$0xFFFFFFCB];
	[tilespmem:s1+$0xE0] =	vst v3  }
0xae: {  	[tilespmem:s1+$0x100] =	vst v4;
	v4 =	vld [tilespmem:s4+$0xFFFFFFDB]  }
0xaf: {  	[tilespmem:s1+$0x110] =	vst v5;
	v5 =	vld [tilespmem:s4+$0xFFFFFFEB]  }
0xb0: {  	v9 =	vld [tilespmem:s4+$0xFFFFFF8A];
	[tilespmem:s1+$0x120] =	vst v6  }
0xb1: {  	v6 =	vld [tilespmem:s4+$0xFFFFFF9A];
	[tilespmem:s1+$0x130] =	vst v7  }
.Ltmp1:
0xb2: {  	v2 =	vld [tilespmem:s4+$0xFFFFFFAA];
	[tilespmem:s1+$0x140] =	vst v8;
	(pc) =	sbr.rel @p0 .LBB2_4-.Ltmp1, $4  }
0xb3: {  	v3 =	vld [tilespmem:s4+$0xFFFFFFBA];
	[tilespmem:s1+$0x150] =	vst v4  }
0xb4: {  	v4 =	vld [tilespmem:s4+$0xFFFFFFCA];
	[tilespmem:s1+$0x160] =	vst v5  }
0xb5: {  	[tilespmem:s1+$0x180] =	vst v9;
	v5 =	vld [tilespmem:s4+$0xFFFFFFDA]  }
0xb6: {  	s3 =	sadd.s32 $0x80, s3;
	[tilespmem:s1+$0x190] =	vst v6;
	v6 =	vld [tilespmem:s4+$0xFFFFFFEA]  }
0xb7: {  	[tilespmem:s1+$0x1A0] =	vst v2  }
0xb8: {  	[tilespmem:s1+$0x1B0] =	vst v3  }
0xb9: {  	[tilespmem:s1+$0x1C0] =	vst v4  }
0xba: {  	[tilespmem:s1+$0x1D0] =	vst v5  }
0xbb: {  	[tilespmem:s1+$0x1E0] =	vst v6  }
0xbc: {  	s1 =	rddreg [dreg:$0x4]  }
0xbd: {  	s15 =	rddreg [dreg:$0x1a]  }
0xbe: {  	s23 =	rddreg [dreg:$0x16]  }
0xbf: {  	s6 =	rddreg [dreg:$0x19]  }
0xc0: {  	s7 =	rddreg [dreg:$0x18]  }
0xc1: {  	s4 =	rddreg [dreg:$0x17]  }
0xc2: {  	s3 =	rddreg [dreg:$0x15]  }
0xc3: {  	s20 =	rddreg [dreg:$0x14]  }
0xc4: {  	s18 =	rddreg [dreg:$0x12]  }
0xc5: {  	s9 =	rddreg [dreg:$0x11]  }
0xc6: {  	s22 =	rddreg [dreg:$0x10]  }
0xc7: {  	s30 =	rddreg [dreg:$0xf]  }
0xc8: {  	s17 =	rddreg [dreg:$0xe]  }
0xc9: {  	s16 =	rddreg [dreg:$0xd]  }
0xca: {  	s14 =	rddreg [dreg:$0xc]  }
0xcb: {  	s5 =	rddreg [dreg:$0xb]  }
0xcc: {  	s13 =	simm.s32 $0x0;
	s2 =	simm.s32 $0x3000;
	s31 =	rddreg [dreg:$0xa]  }
0xcd: {  	[hbm4b:s1+s13] =	stream.linear.scatter [tilespmem:s2], [sflag:$0x1], $0x8000, $0x38;
	[tilespmem:$0x13000] =	vst v63  }
0xce: {  	s12 =	simm.s32 $0x0;
	s2 =	rddreg [dreg:$0x13]  }
.LBB2_6:
0xcf: {  	s11 =	sshra.s32 s18, $0x2  }
0xd0: {  	s1 =	sshll.u32 s31, $0x2;
	v3 =	vld [tilespmem:s11+$0x1067]  }
0xd1: {  	s1 =	sand.u32 $0xFFFFFE00, s1;
	v4 =	vld [tilespmem:s11+$0x1007]  }
0xd2: {  	v5 =	vld [tilespmem:s11+$0x1017];
	s19 =	sadd.s32 s1, s13  }
0xd3: {  	v6 =	vld [tilespmem:s11+$0x1027];
	s1 =	sshra.s32 s19, $0x2  }
0xd4: {  	s8 =	simm.s32 $0xB200;
	v2 =	vld [tilespmem:s1+$0x1077]  }
0xd5: {  	v7 =	vld [tilespmem:s11+$0x1037];
	[tilespmem:s8+$0xFFFFFE70] =	vst v3  }
0xd6: {  	v8 =	vld [tilespmem:s11+$0x1047];
	[tilespmem:s8+$0xFFFFFE10] =	vst v4  }
0xd7: {  	v3 =	vld [tilespmem:s11+$0x1057];
	[tilespmem:s8+$0xFFFFFE20] =	vst v5  }
0xd8: {  	[tilespmem:s8+$0xFFFFFE30] =	vst v6;
	v5 =	vld [tilespmem:s11+$0x1006]  }
0xd9: {  	[tilespmem:s8+$0xFFFFFE00] =	vst v2;
	v2 =	vld [tilespmem:s11+$0x1066]  }
0xda: {  	s25 =	sshll.u32 s5, $0x2;
	[tilespmem:s8+$0xFFFFFE40] =	vst v7;
	v6 =	vld [tilespmem:s11+$0x1016]  }
0xdb: {  	s10 =	sand.u32 $0xFFFFFFF8, s25;
	[tilespmem:s8+$0xFFFFFE50] =	vst v8;
	v7 =	vld [tilespmem:s11+$0x1026]  }
0xdc: {  	s1 =	sshra.s32 s10, $0x2;
	v8 =	vld [tilespmem:s11+$0x1036];
	[tilespmem:s8+$0xFFFFFE60] =	vst v3  }
0xdd: {  	v4 =	vld [tilespmem:s1+$0x1000];
	[tilespmem:s8+$0xFFFFFE90] =	vst v5  }
0xde: {  	v3 =	vld [tilespmem:s11+$0x1046];
	[tilespmem:s8+$0xFFFFFEF0] =	vst v2  }
0xdf: {  	[tilespmem:s8+$0xFFFFFEA0] =	vst v6;
	v2 =	vld [tilespmem:s11+$0x1065]  }
0xe0: {  	s26 =	sshll.u32 s14, $0x2;
	[tilespmem:s8+$0xFFFFFEB0] =	vst v7;
	v6 =	vld [tilespmem:s11+$0x1005]  }
0xe1: {  	s1 =	sand.u32 $0xFFFFFE00, s26;
	[tilespmem:s8+$0xFFFFFEC0] =	vst v8;
	v7 =	vld [tilespmem:s11+$0x1015]  }
0xe2: {  	s29 =	sadd.s32 s1, s13;
	v8 =	vld [tilespmem:s11+$0x1025];
	[tilespmem:s8+$0xFFFFFE80] =	vst v4  }
0xe3: {  	s1 =	sshra.s32 s29, $0x2;
	v4 =	vld [tilespmem:s11+$0x1056];
	[tilespmem:s8+$0xFFFFFED0] =	vst v3  }
0xe4: {  	v5 =	vld [tilespmem:s1+$0x1075];
	[tilespmem:s8+$0xFFFFFF70] =	vst v2  }
0xe5: {  	[tilespmem:s8+$0xFFFFFF10] =	vst v6;
	v2 =	vld [tilespmem:s11+$0x1064]  }
0xe6: {  	v3 =	vld [tilespmem:s11+$0x1035];
	[tilespmem:s8+$0xFFFFFF20] =	vst v7  }
0xe7: {  	[tilespmem:s8+$0xFFFFFF30] =	vst v8;
	v7 =	vld [tilespmem:s11+$0x1004]  }
0xe8: {  	v8 =	vld [tilespmem:s11+$0x1014];
	[tilespmem:s8+$0xFFFFFEE0] =	vst v4  }
0xe9: {  	v4 =	vld [tilespmem:s11+$0x1045];
	[tilespmem:s8+$0xFFFFFF00] =	vst v5  }
0xea: {  	s21 =	sshll.u32 s16, $0x2;
	v5 =	vld [tilespmem:s11+$0x1055];
	[tilespmem:s8+$0xFFFFFFF0] =	vst v2  }
0xeb: {  	s28 =	sand.u32 $0xFFFFFFF0, s21;
	[tilespmem:s8+$0xFFFFFF40] =	vst v3;
	v2 =	vld [tilespmem:s11+$0x1063]  }
0xec: {  	s1 =	sshra.s32 s28, $0x2;
	v3 =	vld [tilespmem:s11+$0x1024];
	[tilespmem:s8+$0xFFFFFF90] =	vst v7  }
0xed: {  	v6 =	vld [tilespmem:s1+$0x1000];
	[tilespmem:s8+$0xFFFFFFA0] =	vst v8  }
0xee: {  	[tilespmem:s8+$0xFFFFFF50] =	vst v4;
	v4 =	vld [tilespmem:s11+$0x1034]  }
0xef: {  	v8 =	vld [tilespmem:s11+$0x1003];
	[tilespmem:s8+$0xFFFFFF60] =	vst v5  }
0xf0: {  	s24 =	sshll.u32 s17, $0x2;
	v5 =	vld [tilespmem:s11+$0x1044];
	[tilespmem:s8+$0x70] =	vst v2  }
0xf1: {  	s1 =	sand.u32 $0xFFFFFE00, s24;
	[tilespmem:s8+$0xFFFFFFB0] =	vst v3;
	v2 =	vld [tilespmem:s11+$0x1062]  }
0xf2: {  	s26 =	sadd.s32 s1, s13;
	v3 =	vld [tilespmem:s11+$0x1013];
	[tilespmem:s8+$0xFFFFFF80] =	vst v6  }
0xf3: {  	s1 =	sshra.s32 s26, $0x2;
	v6 =	vld [tilespmem:s11+$0x1054];
	[tilespmem:s8+$0xFFFFFFC0] =	vst v4  }
0xf4: {  	v7 =	vld [tilespmem:s1+$0x1073];
	[tilespmem:s8+$0x10] =	vst v8  }
0xf5: {  	v4 =	vld [tilespmem:s11+$0x1023];
	[tilespmem:s8+$0xFFFFFFD0] =	vst v5  }
0xf6: {  	v5 =	vld [tilespmem:s11+$0x1033];
	[tilespmem:s8+$0xF0] =	vst v2  }
0xf7: {  	[tilespmem:s8+$0x20] =	vst v3;
	v2 =	vld [tilespmem:s11+$0x1061]  }
0xf8: {  	s25 =	sshll.u32 s30, $0x2;
	v3 =	vld [tilespmem:s11+$0x1002];
	[tilespmem:s8+$0xFFFFFFE0] =	vst v6  }
0xf9: {  	s25 =	sand.u32 $0xFFFFFFF8, s25;
	v6 =	vld [tilespmem:s11+$0x1043];
	[tilespmem:s8+$0x0] =	vst v7  }
0xfa: {  	s1 =	sshra.s32 s25, $0x2;
	v7 =	vld [tilespmem:s11+$0x1053];
	[tilespmem:s8+$0x30] =	vst v4  }
0xfb: {  	v8 =	vld [tilespmem:s1+$0x1000];
	[tilespmem:s8+$0x40] =	vst v5  }
0xfc: {  	v4 =	vld [tilespmem:s11+$0x1012];
	[tilespmem:s8+$0x170] =	vst v2  }
0xfd: {  	v2 =	vld [tilespmem:s11+$0x1060];
	[smem:$0x7F6] =	sst s22  }
0xfe: {  	s21 =	sshll.u32 s22, $0x2;
	[tilespmem:s8+$0x50] =	vst v6  }
0xff: {  	s1 =	sand.u32 $0xFFFFFE00, s21;
	v5 =	vld [tilespmem:s11+$0x1022];
	[tilespmem:s8+$0x60] =	vst v7  }
0x100: {  	s24 =	sadd.s32 s1, s13;
	v6 =	vld [tilespmem:s11+$0x1032];
	[tilespmem:s8+$0x80] =	vst v8  }
0x101: {  	s1 =	sshra.s32 s24, $0x2;
	[tilespmem:s8+$0x90] =	vst v3;
	v7 =	vld [tilespmem:s11+$0x1042]  }
0x102: {  	[tilespmem:s8+$0xA0] =	vst v4;
	v8 =	vld [tilespmem:s1+$0x1071]  }
0x103: {  	v9 =	vld [tilespmem:s11+$0x1001];
	[tilespmem:s8+$0x1F0] =	vst v2  }
0x104: {  	v2 =	vld [tilespmem:s11+$0x1052];
	[tilespmem:s8+$0xB0] =	vst v5  }
0x105: {  	v4 =	vld [tilespmem:s11+$0x1011];
	[tilespmem:s8+$0xC0] =	vst v6  }
0x106: {  	v5 =	vld [tilespmem:s11+$0x1021];
	[smem:$0x7F7] =	sst s9  }
0x107: {  	[tilespmem:s8+$0xD0] =	vst v7  }
0x108: {  	v6 =	vld [tilespmem:s11+$0x1031];
	[smem:$0x7F8] =	sst s2  }
0x109: {  	[tilespmem:s8+$0xE0] =	vst v2  }
0x10a: {  	v7 =	vld [tilespmem:s11+$0x1041];
	[smem:$0x7F9] =	sst s20  }
0x10b: {  	[tilespmem:s8+$0x100] =	vst v8  }
0x10c: {  	s22 =	sshll.u32 s9, $0x2;
	v8 =	vld [tilespmem:s11+$0x1051];
	[smem:$0x7FA] =	sst s3  }
0x10d: {  	s22 =	sand.u32 $0xFFFFFFC0, s22;
	[smem:$0x7FB] =	sst s4  }
0x10e: {  	s9 =	sshll.u32 s2, $0x2;
	s2 =	sshra.s32 s22, $0x2;
	[tilespmem:s8+$0x110] =	vst v9  }
0x10f: {  	v3 =	vld [tilespmem:s2+$0x1000];
	[tilespmem:s8+$0x120] =	vst v4  }
0x110: {  	v2 =	vld [tilespmem:s11+$0x1000];
	[smem:$0x7FC] =	sst s7  }
0x111: {  	s21 =	sshll.u32 s20, $0x2;
	[dreg:$0x1f] =	wrdreg s6  }
0x112: {  	s1 =	sand.u32 $0xFFFFFE00, s21;
	s21 =	sshll.u32 s4, $0x2;
	[tilespmem:s8+$0x130] =	vst v5  }
0x113: {  	s20 =	sshll.u32 s3, $0x2;
	s4 =	sand.u32 $0xFFFFFE00, s21;
	v4 =	vld [tilespmem:s11+$0x1010];
	[dreg:$0x1e] =	wrdreg s15  }
0x114: {  	s21 =	sshll.u32 s6, $0x2;
	s2 =	sand.u32 $0xFFFFFFF0, s20;
	s20 =	sshll.u32 s7, $0x2;
	[tilespmem:s8+$0x140] =	vst v6  }
0x115: {  	s6 =	sand.u32 $0xFFFFFFF8, s20;
	s20 =	sand.u32 $0xFFFFFE00, s21;
	s21 =	sshll.u32 s15, $0x2;
	[tilespmem:s8+$0x150] =	vst v7  }
0x116: {  	s3 =	sand.u32 $0xFFFFFFE0, s21;
	s15 =	sshll.u32 s12, $0x1;
	s21 =	rddreg [dreg:$0x3]  }
0x117: {  	s1 =	sadd.s32 s1, s13;
	s9 =	sand.u32 $0xFFFFFFF8, s9;
	v5 =	vld [tilespmem:s11+$0x1020];
	s15 =	sadd.s32 s21, s15  }
0x118: {  	s4 =	sadd.s32 s4, s13;
	s7 =	sadd.s32 s20, s13;
	v6 =	vld [tilespmem:s11+$0x1030];
	[smem:$0x7FD] =	sst s15  }
0x119: {  	s20 =	sadd.s32 $0x200, s19;
	s19 =	smov.u32 s18;
	s21 =	simm.s32 $0x0;
	v7 =	vld [tilespmem:s11+$0x1040];
	[tilespmem:s8+$0x160] =	vst v8  }
.LBB2_7:
0x11a: {  	s15 =	sshra.s32 s20, $0x2;
	[tilespmem:s8+$0x180] =	vst v3;
	v3 =	vld [tilespmem:s11+$0x1050];
	s19 =	sadd.s32 $0x200, s19  }
0x11b: {  	s21 =	sadd.s32 $0x80, s21;
	v8 =	vld [tilespmem:s15+$0x1077];
	s11 =	sshra.s32 s19, $0x2;
	[tilespmem:s8+$0x190] =	vst v2  }
0x11c: {  	p0 =	slt.u32 s21, $0xF80;
	v2 =	vld [tilespmem:s11+$0x1067];
	[tilespmem:s8+$0x1A0] =	vst v4  }
0x11d: {  	v4 =	vld [tilespmem:s11+$0x1007];
	[tilespmem:s8+$0x1B0] =	vst v5  }
0x11e: {  	v5 =	vld [tilespmem:s11+$0x1017];
	[tilespmem:s8+$0x1C0] =	vst v6  }
0x11f: {  	v6 =	vld [tilespmem:s11+$0x1027];
	[tilespmem:s8+$0x1D0] =	vst v7  }
0x120: {  	v7 =	vld [tilespmem:s11+$0x1037];
	[tilespmem:s8+$0x1E0] =	vst v3;
	s8 =	sadd.s32 $0x400, s8  }
0x121: {  	v3 =	vld [tilespmem:s11+$0x1047];
	[tilespmem:s8+$0xFFFFFE70] =	vst v2  }
0x122: {  	s10 =	sadd.s32 $0x200, s10;
	[tilespmem:s8+$0xFFFFFE00] =	vst v8;
	v2 =	vld [tilespmem:s11+$0x1066]  }
0x123: {  	s15 =	sshra.s32 s10, $0x2;
	[tilespmem:s8+$0xFFFFFE10] =	vst v4;
	v4 =	vld [tilespmem:s11+$0x1057]  }
0x124: {  	v8 =	vld [tilespmem:s15+$0x1000];
	[tilespmem:s8+$0xFFFFFE20] =	vst v5  }
0x125: {  	v5 =	vld [tilespmem:s11+$0x1006];
	[tilespmem:s8+$0xFFFFFE30] =	vst v6  }
0x126: {  	v6 =	vld [tilespmem:s11+$0x1016];
	[tilespmem:s8+$0xFFFFFE40] =	vst v7  }
0x127: {  	v7 =	vld [tilespmem:s11+$0x1026];
	[tilespmem:s8+$0xFFFFFEF0] =	vst v2  }
0x128: {  	[tilespmem:s8+$0xFFFFFE50] =	vst v3;
	v2 =	vld [tilespmem:s11+$0x1065]  }
0x129: {  	v3 =	vld [tilespmem:s11+$0x1036];
	[tilespmem:s8+$0xFFFFFE60] =	vst v4  }
0x12a: {  	s29 =	sadd.s32 $0x200, s29;
	[tilespmem:s8+$0xFFFFFE80] =	vst v8;
	v4 =	vld [tilespmem:s11+$0x1046]  }
0x12b: {  	s15 =	sshra.s32 s29, $0x2;
	[tilespmem:s8+$0xFFFFFE90] =	vst v5;
	v5 =	vld [tilespmem:s11+$0x1056]  }
0x12c: {  	v8 =	vld [tilespmem:s15+$0x1075];
	[tilespmem:s8+$0xFFFFFEA0] =	vst v6  }
0x12d: {  	v6 =	vld [tilespmem:s11+$0x1005];
	[tilespmem:s8+$0xFFFFFF70] =	vst v2  }
0x12e: {  	[tilespmem:s8+$0xFFFFFEB0] =	vst v7;
	v2 =	vld [tilespmem:s11+$0x1064]  }
0x12f: {  	v7 =	vld [tilespmem:s11+$0x1015];
	[tilespmem:s8+$0xFFFFFEC0] =	vst v3  }
0x130: {  	v3 =	vld [tilespmem:s11+$0x1025];
	[tilespmem:s8+$0xFFFFFED0] =	vst v4  }
0x131: {  	v4 =	vld [tilespmem:s11+$0x1035];
	[tilespmem:s8+$0xFFFFFEE0] =	vst v5  }
0x132: {  	[tilespmem:s8+$0xFFFFFF00] =	vst v8;
	v5 =	vld [tilespmem:s11+$0x1045]  }
0x133: {  	s28 =	sadd.s32 $0x200, s28;
	v8 =	vld [tilespmem:s11+$0x1055];
	[tilespmem:s8+$0xFFFFFFF0] =	vst v2  }
0x134: {  	s15 =	sshra.s32 s28, $0x2;
	[tilespmem:s8+$0xFFFFFF10] =	vst v6;
	v2 =	vld [tilespmem:s11+$0x1063]  }
0x135: {  	v6 =	vld [tilespmem:s15+$0x1000];
	[tilespmem:s8+$0xFFFFFF20] =	vst v7  }
0x136: {  	v7 =	vld [tilespmem:s11+$0x1004];
	[tilespmem:s8+$0xFFFFFF30] =	vst v3  }
0x137: {  	v3 =	vld [tilespmem:s11+$0x1014];
	[tilespmem:s8+$0xFFFFFF40] =	vst v4  }
0x138: {  	v4 =	vld [tilespmem:s11+$0x1024];
	[tilespmem:s8+$0xFFFFFF50] =	vst v5  }
0x139: {  	v5 =	vld [tilespmem:s11+$0x1034];
	[tilespmem:s8+$0x70] =	vst v2  }
0x13a: {  	[tilespmem:s8+$0xFFFFFF60] =	vst v8;
	v2 =	vld [tilespmem:s11+$0x1062]  }
0x13b: {  	s26 =	sadd.s32 $0x200, s26;
	[tilespmem:s8+$0xFFFFFF80] =	vst v6;
	v6 =	vld [tilespmem:s11+$0x1044]  }
0x13c: {  	s15 =	sshra.s32 s26, $0x2;
	[tilespmem:s8+$0xFFFFFF90] =	vst v7;
	v7 =	vld [tilespmem:s11+$0x1054]  }
0x13d: {  	v8 =	vld [tilespmem:s15+$0x1073];
	[tilespmem:s8+$0xFFFFFFA0] =	vst v3  }
0x13e: {  	v3 =	vld [tilespmem:s11+$0x1003];
	[tilespmem:s8+$0xFFFFFFB0] =	vst v4  }
0x13f: {  	v4 =	vld [tilespmem:s11+$0x1013];
	[tilespmem:s8+$0xF0] =	vst v2  }
0x140: {  	[tilespmem:s8+$0xFFFFFFC0] =	vst v5;
	v2 =	vld [tilespmem:s11+$0x1061]  }
0x141: {  	v5 =	vld [tilespmem:s11+$0x1023];
	[tilespmem:s8+$0xFFFFFFD0] =	vst v6  }
0x142: {  	v6 =	vld [tilespmem:s11+$0x1033];
	[tilespmem:s8+$0xFFFFFFE0] =	vst v7  }
0x143: {  	s25 =	sadd.s32 $0x200, s25;
	[tilespmem:s8+$0x0] =	vst v8;
	v7 =	vld [tilespmem:s11+$0x1043]  }
0x144: {  	s15 =	sshra.s32 s25, $0x2;
	[tilespmem:s8+$0x10] =	vst v3;
	v3 =	vld [tilespmem:s11+$0x1053]  }
0x145: {  	v8 =	vld [tilespmem:s15+$0x1000];
	[tilespmem:s8+$0x170] =	vst v2  }
0x146: {  	[tilespmem:s8+$0x20] =	vst v4;
	v2 =	vld [tilespmem:s11+$0x1060]  }
0x147: {  	v4 =	vld [tilespmem:s11+$0x1002];
	[tilespmem:s8+$0x30] =	vst v5  }
0x148: {  	v5 =	vld [tilespmem:s11+$0x1012];
	[tilespmem:s8+$0x40] =	vst v6  }
0x149: {  	v6 =	vld [tilespmem:s11+$0x1022];
	[tilespmem:s8+$0x50] =	vst v7  }
0x14a: {  	v7 =	vld [tilespmem:s11+$0x1032];
	[tilespmem:s8+$0x60] =	vst v3  }
0x14b: {  	s24 =	sadd.s32 $0x200, s24;
	v3 =	vld [tilespmem:s11+$0x1042];
	[tilespmem:s8+$0x1F0] =	vst v2  }
0x14c: {  	s15 =	sshra.s32 s24, $0x2;
	[tilespmem:s8+$0x80] =	vst v8;
	v2 =	vld [tilespmem:s11+$0x1052]  }
0x14d: {  	v8 =	vld [tilespmem:s15+$0x1071];
	[tilespmem:s8+$0x90] =	vst v4  }
0x14e: {  	v4 =	vld [tilespmem:s11+$0x1001];
	[tilespmem:s8+$0xA0] =	vst v5  }
0x14f: {  	v5 =	vld [tilespmem:s11+$0x1011];
	[tilespmem:s8+$0xB0] =	vst v6  }
0x150: {  	v6 =	vld [tilespmem:s11+$0x1021];
	[tilespmem:s8+$0xC0] =	vst v7  }
0x151: {  	v7 =	vld [tilespmem:s11+$0x1031];
	[tilespmem:s8+$0xD0] =	vst v3  }
0x152: {  	s22 =	sadd.s32 $0x200, s22;
	v9 =	vld [tilespmem:s11+$0x1041];
	[tilespmem:s8+$0xE0] =	vst v2  }
0x153: {  	s15 =	sshra.s32 s22, $0x2;
	[tilespmem:s8+$0x100] =	vst v8;
	v8 =	vld [tilespmem:s11+$0x1051]  }
0x154: {  	v3 =	vld [tilespmem:s15+$0x1000];
	[tilespmem:s8+$0x110] =	vst v4  }
.Ltmp2:
0x155: {  	v2 =	vld [tilespmem:s11+$0x1000];
	[tilespmem:s8+$0x120] =	vst v5;
	(pc) =	sbr.rel @p0 .LBB2_7-.Ltmp2, $4  }
0x156: {  	v4 =	vld [tilespmem:s11+$0x1010];
	[tilespmem:s8+$0x130] =	vst v6  }
0x157: {  	v5 =	vld [tilespmem:s11+$0x1020];
	[tilespmem:s8+$0x140] =	vst v7  }
0x158: {  	v6 =	vld [tilespmem:s11+$0x1030];
	[tilespmem:s8+$0x150] =	vst v9  }
0x159: {  	s20 =	sadd.s32 $0x200, s20;
	v7 =	vld [tilespmem:s11+$0x1040];
	[tilespmem:s8+$0x160] =	vst v8  }
0x15a: {  	[tilespmem:s8+$0x180] =	vst v3  }
0x15b: {  	[tilespmem:s8+$0x190] =	vst v2  }
0x15c: {  	[tilespmem:s8+$0x1A0] =	vst v4  }
0x15d: {  	v3 =	vld [tilespmem:s11+$0x1050];
	[tilespmem:s8+$0x1B0] =	vst v5  }
0x15e: {  	[tilespmem:s8+$0x1C0] =	vst v6  }
0x15f: {  	[tilespmem:s8+$0x1D0] =	vst v7  }
0x160: {  	s10 =	sld [smem:$0x7FD];
	_ =	sdelay $0x1  }
0x161: {  	[tilespmem:s8+$0x1E0] =	vst v3  }
0x162: {  	s21 =	simm.s32 $0x0;
	s8 =	rddreg [dreg:$0x5];
	s10 =	sshll.u32 s10, $0xC  }
0x163: {  	s19 =	simm.s32 $0xB000;
	s20 =	simm.s32 $0x1;
	s8 =	sadd.s32 s10, s8  }
0x164: {  	[hbm4b:s8+s21] =	stream.linear.scatter [tilespmem:s19], [sflag:$0x2], $0x8000, $0x38;
	[tilespmem:$0x13000] =	vst v63  }
0x165: {  	_ =	swait.ge [sflag:s20], $0x8000  }
0x166: {  	[sflag:s20] =	ssyncset.done $0x0  }
0x167: {  	s11 =	sshra.s32 s23, $0x2;
	[sflag:s20] =	ssyncadd.s32 $0xFFFF8000  }
0x168: {  	v2 =	vld [tilespmem:s11+$0x1000]  }
0x169: {  	v3 =	vld [tilespmem:s11+$0xF90]  }
0x16a: {  	v4 =	vld [tilespmem:s11+$0xFA0]  }
0x16b: {  	v5 =	vld [tilespmem:s11+$0xFB0]  }
0x16c: {  	s8 =	simm.s32 $0x3200;
	v6 =	vld [tilespmem:s11+$0xFC0]  }
0x16d: {  	v7 =	vld [tilespmem:s11+$0xFD0];
	[tilespmem:s8+$0xFFFFFE70] =	vst v2  }
0x16e: {  	[tilespmem:s8+$0xFFFFFE00] =	vst v3;
	v3 =	vld [tilespmem:s11+$0xFE0]  }
0x16f: {  	[tilespmem:s8+$0xFFFFFE10] =	vst v4;
	v4 =	vld [tilespmem:s11+$0xFF0]  }
0x170: {  	s15 =	sshra.s32 s9, $0x2;
	[tilespmem:s8+$0xFFFFFE20] =	vst v5;
	v2 =	vld [tilespmem:s11+$0xFFF]  }
0x171: {  	[tilespmem:s8+$0xFFFFFE30] =	vst v6;
	v5 =	vld [tilespmem:s15+$0x1000]  }
0x172: {  	[tilespmem:s8+$0xFFFFFE40] =	vst v7;
	v6 =	vld [tilespmem:s11+$0xF9F]  }
0x173: {  	v7 =	vld [tilespmem:s11+$0xFAF];
	[tilespmem:s8+$0xFFFFFE50] =	vst v3  }
0x174: {  	v3 =	vld [tilespmem:s11+$0xFBF];
	[tilespmem:s8+$0xFFFFFE60] =	vst v4  }
0x175: {  	v4 =	vld [tilespmem:s11+$0xFCF];
	[tilespmem:s8+$0xFFFFFEF0] =	vst v2  }
0x176: {  	[tilespmem:s8+$0xFFFFFE80] =	vst v5;
	v5 =	vld [tilespmem:s11+$0xFDF]  }
0x177: {  	[tilespmem:s8+$0xFFFFFE90] =	vst v6;
	v2 =	vld [tilespmem:s11+$0xFFE]  }
0x178: {  	s22 =	sshra.s32 s1, $0x2;
	[tilespmem:s8+$0xFFFFFEA0] =	vst v7;
	v6 =	vld [tilespmem:s11+$0xFEF]  }
0x179: {  	v7 =	vld [tilespmem:s22+$0x106D];
	[tilespmem:s8+$0xFFFFFEB0] =	vst v3  }
0x17a: {  	v3 =	vld [tilespmem:s11+$0xF9E];
	[tilespmem:s8+$0xFFFFFEC0] =	vst v4  }
0x17b: {  	v4 =	vld [tilespmem:s11+$0xFAE];
	[tilespmem:s8+$0xFFFFFED0] =	vst v5  }
0x17c: {  	v5 =	vld [tilespmem:s11+$0xFBE];
	[tilespmem:s8+$0xFFFFFF70] =	vst v2  }
0x17d: {  	[tilespmem:s8+$0xFFFFFEE0] =	vst v6;
	v2 =	vld [tilespmem:s11+$0xFFD]  }
0x17e: {  	v6 =	vld [tilespmem:s11+$0xFCE];
	[tilespmem:s8+$0xFFFFFF00] =	vst v7  }
0x17f: {  	v7 =	vld [tilespmem:s11+$0xFDE];
	[tilespmem:s8+$0xFFFFFF10] =	vst v3  }
0x180: {  	s24 =	sshra.s32 s2, $0x2;
	[tilespmem:s8+$0xFFFFFF20] =	vst v4;
	v3 =	vld [tilespmem:s11+$0xFEE]  }
0x181: {  	v4 =	vld [tilespmem:s24+$0x1000];
	[tilespmem:s8+$0xFFFFFF30] =	vst v5  }
0x182: {  	v5 =	vld [tilespmem:s11+$0xF9D];
	[tilespmem:s8+$0xFFFFFFF0] =	vst v2  }
0x183: {  	[tilespmem:s8+$0xFFFFFF40] =	vst v6;
	v2 =	vld [tilespmem:s11+$0xFFC]  }
0x184: {  	v6 =	vld [tilespmem:s11+$0xFAD];
	[tilespmem:s8+$0xFFFFFF50] =	vst v7  }
0x185: {  	v7 =	vld [tilespmem:s11+$0xFBD];
	[tilespmem:s8+$0xFFFFFF60] =	vst v3  }
0x186: {  	[tilespmem:s8+$0xFFFFFF80] =	vst v4;
	v3 =	vld [tilespmem:s11+$0xFCD]  }
0x187: {  	v4 =	vld [tilespmem:s11+$0xFDD];
	[tilespmem:s8+$0xFFFFFF90] =	vst v5  }
0x188: {  	v5 =	vld [tilespmem:s11+$0xFED];
	[tilespmem:s8+$0x70] =	vst v2  }
0x189: {  	s25 =	sshra.s32 s4, $0x2;
	[tilespmem:s8+$0xFFFFFFA0] =	vst v6;
	v2 =	vld [tilespmem:s11+$0xFFB]  }
0x18a: {  	v6 =	vld [tilespmem:s25+$0x106B];
	[tilespmem:s8+$0xFFFFFFB0] =	vst v7  }
0x18b: {  	v7 =	vld [tilespmem:s11+$0xF9C];
	[tilespmem:s8+$0xFFFFFFC0] =	vst v3  }
0x18c: {  	v3 =	vld [tilespmem:s11+$0xFAC];
	[tilespmem:s8+$0xFFFFFFD0] =	vst v4  }
0x18d: {  	v4 =	vld [tilespmem:s11+$0xFBC];
	[tilespmem:s8+$0xFFFFFFE0] =	vst v5  }
0x18e: {  	v5 =	vld [tilespmem:s11+$0xFCC];
	[tilespmem:s8+$0xF0] =	vst v2  }
0x18f: {  	[tilespmem:s8+$0x0] =	vst v6;
	v2 =	vld [tilespmem:s11+$0xFFA]  }
0x190: {  	v6 =	vld [tilespmem:s11+$0xFDC];
	[tilespmem:s8+$0x10] =	vst v7  }
0x191: {  	s26 =	sshra.s32 s6, $0x2;
	v7 =	vld [tilespmem:s11+$0xFEC];
	[tilespmem:s8+$0x20] =	vst v3  }
0x192: {  	v3 =	vld [tilespmem:s26+$0x1000];
	[tilespmem:s8+$0x30] =	vst v4  }
0x193: {  	v4 =	vld [tilespmem:s11+$0xF9B];
	[tilespmem:s8+$0x40] =	vst v5  }
0x194: {  	v5 =	vld [tilespmem:s11+$0xFAB];
	[tilespmem:s8+$0x170] =	vst v2  }
0x195: {  	[tilespmem:s8+$0x50] =	vst v6;
	v2 =	vld [tilespmem:s11+$0xFF9]  }
0x196: {  	v6 =	vld [tilespmem:s11+$0xFBB];
	[tilespmem:s8+$0x60] =	vst v7  }
0x197: {  	v7 =	vld [tilespmem:s11+$0xFCB];
	[tilespmem:s8+$0x80] =	vst v3  }
0x198: {  	s28 =	sshra.s32 s7, $0x2;
	[tilespmem:s8+$0x90] =	vst v4;
	v3 =	vld [tilespmem:s11+$0xFEB]  }
0x199: {  	v4 =	vld [tilespmem:s28+$0x1069];
	[tilespmem:s8+$0xA0] =	vst v5  }
0x19a: {  	[tilespmem:s8+$0x1F0] =	vst v2;
	v2 =	vld [tilespmem:s11+$0xFDB]  }
0x19b: {  	v5 =	vld [tilespmem:s11+$0xF9A];
	[tilespmem:s8+$0xB0] =	vst v6  }
0x19c: {  	v6 =	vld [tilespmem:s11+$0xFAA];
	[tilespmem:s8+$0xC0] =	vst v7  }
0x19d: {  	v7 =	vld [tilespmem:s11+$0xFBA];
	[tilespmem:s8+$0xE0] =	vst v3  }
0x19e: {  	v8 =	vld [tilespmem:s11+$0xFCA];
	[tilespmem:s8+$0x100] =	vst v4  }
0x19f: {  	v9 =	vld [tilespmem:s11+$0xFEA];
	[tilespmem:s8+$0xD0] =	vst v2  }
0x1a0: {  	s29 =	sshra.s32 s3, $0x2;
	[tilespmem:s8+$0x110] =	vst v5;
	v4 =	vld [tilespmem:s11+$0xFDA]  }
0x1a1: {  	v10 =	vld [tilespmem:s29+$0x1000];
	[tilespmem:s8+$0x120] =	vst v6  }
0x1a2: {  	v5 =	vld [tilespmem:s11+$0xF99];
	[tilespmem:s8+$0x130] =	vst v7  }
0x1a3: {  	[tilespmem:s8+$0x140] =	vst v8;
	v2 =	vld [tilespmem:s11+$0xFA9]  }
0x1a4: {  	v3 =	vld [tilespmem:s11+$0xFB9];
	[tilespmem:s8+$0x160] =	vst v9  }
0x1a5: {  	[tilespmem:s8+$0x150] =	vst v4;
	v4 =	vld [tilespmem:s11+$0xFC9]  }
0x1a6: {  	s19 =	sadd.s32 $0x200, s23;
	s20 =	simm.s32 $0x0;
	[tilespmem:s8+$0x180] =	vst v10;
	v6 =	vld [tilespmem:s11+$0xFD9]  }
.LBB2_9:
0x1a7: {  	s20 =	sadd.s32 $0x80, s20;
	[tilespmem:s8+$0x190] =	vst v5;
	v5 =	vld [tilespmem:s11+$0xFE9];
	s11 =	sshra.s32 s19, $0x2  }
0x1a8: {  	v7 =	vld [tilespmem:s11+$0x1000];
	p0 =	slt.u32 s20, $0xF80;
	[tilespmem:s8+$0x1A0] =	vst v2  }
0x1a9: {  	v2 =	vld [tilespmem:s11+$0xF90];
	[tilespmem:s8+$0x1B0] =	vst v3  }
0x1aa: {  	v3 =	vld [tilespmem:s11+$0xFA0];
	[tilespmem:s8+$0x1C0] =	vst v4  }
0x1ab: {  	v4 =	vld [tilespmem:s11+$0xFB0];
	[tilespmem:s8+$0x1D0] =	vst v6  }
0x1ac: {  	v6 =	vld [tilespmem:s11+$0xFC0];
	[tilespmem:s8+$0x1E0] =	vst v5;
	s8 =	sadd.s32 $0x400, s8  }
0x1ad: {  	v5 =	vld [tilespmem:s11+$0xFD0];
	[tilespmem:s8+$0xFFFFFE70] =	vst v7  }
0x1ae: {  	[tilespmem:s8+$0xFFFFFE00] =	vst v2;
	v2 =	vld [tilespmem:s11+$0xFFF]  }
0x1af: {  	s9 =	sadd.s32 $0x200, s9;
	[tilespmem:s8+$0xFFFFFE10] =	vst v3;
	v3 =	vld [tilespmem:s11+$0xFE0]  }
0x1b0: {  	s15 =	sshra.s32 s9, $0x2;
	[tilespmem:s8+$0xFFFFFE20] =	vst v4;
	v4 =	vld [tilespmem:s11+$0xFF0]  }
0x1b1: {  	v7 =	vld [tilespmem:s15+$0x1000];
	[tilespmem:s8+$0xFFFFFE30] =	vst v6  }
0x1b2: {  	v6 =	vld [tilespmem:s11+$0xF9F];
	[tilespmem:s8+$0xFFFFFE40] =	vst v5  }
0x1b3: {  	v5 =	vld [tilespmem:s11+$0xFAF];
	[tilespmem:s8+$0xFFFFFEF0] =	vst v2  }
0x1b4: {  	[tilespmem:s8+$0xFFFFFE50] =	vst v3;
	v2 =	vld [tilespmem:s11+$0xFFE]  }
0x1b5: {  	v3 =	vld [tilespmem:s11+$0xFBF];
	[tilespmem:s8+$0xFFFFFE60] =	vst v4  }
0x1b6: {  	[tilespmem:s8+$0xFFFFFE80] =	vst v7;
	v4 =	vld [tilespmem:s11+$0xFCF]  }
0x1b7: {  	s1 =	sadd.s32 $0x200, s1;
	[tilespmem:s8+$0xFFFFFE90] =	vst v6;
	v6 =	vld [tilespmem:s11+$0xFDF]  }
0x1b8: {  	s15 =	sshra.s32 s1, $0x2;
	[tilespmem:s8+$0xFFFFFEA0] =	vst v5;
	v5 =	vld [tilespmem:s11+$0xFEF]  }
0x1b9: {  	v7 =	vld [tilespmem:s15+$0x106D];
	[tilespmem:s8+$0xFFFFFF70] =	vst v2  }
0x1ba: {  	[tilespmem:s8+$0xFFFFFEB0] =	vst v3;
	v2 =	vld [tilespmem:s11+$0xFFD]  }
0x1bb: {  	v3 =	vld [tilespmem:s11+$0xF9E];
	[tilespmem:s8+$0xFFFFFEC0] =	vst v4  }
0x1bc: {  	v4 =	vld [tilespmem:s11+$0xFAE];
	[tilespmem:s8+$0xFFFFFED0] =	vst v6  }
0x1bd: {  	v6 =	vld [tilespmem:s11+$0xFBE];
	[tilespmem:s8+$0xFFFFFEE0] =	vst v5  }
0x1be: {  	[tilespmem:s8+$0xFFFFFF00] =	vst v7;
	v5 =	vld [tilespmem:s11+$0xFCE]  }
0x1bf: {  	v7 =	vld [tilespmem:s11+$0xFDE];
	[tilespmem:s8+$0xFFFFFFF0] =	vst v2  }
0x1c0: {  	s2 =	sadd.s32 $0x200, s2;
	[tilespmem:s8+$0xFFFFFF10] =	vst v3;
	v2 =	vld [tilespmem:s11+$0xFFC]  }
0x1c1: {  	s15 =	sshra.s32 s2, $0x2;
	[tilespmem:s8+$0xFFFFFF20] =	vst v4;
	v3 =	vld [tilespmem:s11+$0xFEE]  }
0x1c2: {  	v4 =	vld [tilespmem:s15+$0x1000];
	[tilespmem:s8+$0xFFFFFF30] =	vst v6  }
0x1c3: {  	v6 =	vld [tilespmem:s11+$0xF9D];
	[tilespmem:s8+$0xFFFFFF40] =	vst v5  }
0x1c4: {  	v5 =	vld [tilespmem:s11+$0xFAD];
	[tilespmem:s8+$0xFFFFFF50] =	vst v7  }
0x1c5: {  	v7 =	vld [tilespmem:s11+$0xFBD];
	[tilespmem:s8+$0x70] =	vst v2  }
0x1c6: {  	[tilespmem:s8+$0xFFFFFF60] =	vst v3;
	v2 =	vld [tilespmem:s11+$0xFFB]  }
0x1c7: {  	[tilespmem:s8+$0xFFFFFF80] =	vst v4;
	v3 =	vld [tilespmem:s11+$0xFCD]  }
0x1c8: {  	s4 =	sadd.s32 $0x200, s4;
	[tilespmem:s8+$0xFFFFFF90] =	vst v6;
	v4 =	vld [tilespmem:s11+$0xFDD]  }
0x1c9: {  	s15 =	sshra.s32 s4, $0x2;
	[tilespmem:s8+$0xFFFFFFA0] =	vst v5;
	v5 =	vld [tilespmem:s11+$0xFED]  }
0x1ca: {  	v6 =	vld [tilespmem:s15+$0x106B];
	[tilespmem:s8+$0xFFFFFFB0] =	vst v7  }
0x1cb: {  	v7 =	vld [tilespmem:s11+$0xF9C];
	[tilespmem:s8+$0xF0] =	vst v2  }
0x1cc: {  	[tilespmem:s8+$0xFFFFFFC0] =	vst v3;
	v2 =	vld [tilespmem:s11+$0xFFA]  }
0x1cd: {  	v3 =	vld [tilespmem:s11+$0xFAC];
	[tilespmem:s8+$0xFFFFFFD0] =	vst v4  }
0x1ce: {  	v4 =	vld [tilespmem:s11+$0xFBC];
	[tilespmem:s8+$0xFFFFFFE0] =	vst v5  }
0x1cf: {  	[tilespmem:s8+$0x0] =	vst v6;
	v5 =	vld [tilespmem:s11+$0xFCC]  }
0x1d0: {  	[tilespmem:s8+$0x10] =	vst v7;
	v6 =	vld [tilespmem:s11+$0xFDC]  }
0x1d1: {  	s6 =	sadd.s32 $0x200, s6;
	v7 =	vld [tilespmem:s11+$0xFEC];
	[tilespmem:s8+$0x170] =	vst v2  }
0x1d2: {  	s15 =	sshra.s32 s6, $0x2;
	[tilespmem:s8+$0x20] =	vst v3;
	v2 =	vld [tilespmem:s11+$0xFF9]  }
0x1d3: {  	v3 =	vld [tilespmem:s15+$0x1000];
	[tilespmem:s8+$0x30] =	vst v4  }
0x1d4: {  	v4 =	vld [tilespmem:s11+$0xF9B];
	[tilespmem:s8+$0x40] =	vst v5  }
0x1d5: {  	v5 =	vld [tilespmem:s11+$0xFAB];
	[tilespmem:s8+$0x50] =	vst v6  }
0x1d6: {  	v6 =	vld [tilespmem:s11+$0xFBB];
	[tilespmem:s8+$0x60] =	vst v7  }
0x1d7: {  	v7 =	vld [tilespmem:s11+$0xFCB];
	[tilespmem:s8+$0x1F0] =	vst v2  }
0x1d8: {  	s7 =	sadd.s32 $0x200, s7;
	[tilespmem:s8+$0x80] =	vst v3;
	v2 =	vld [tilespmem:s11+$0xFDB]  }
0x1d9: {  	s15 =	sshra.s32 s7, $0x2;
	[tilespmem:s8+$0x90] =	vst v4;
	v3 =	vld [tilespmem:s11+$0xFEB]  }
0x1da: {  	v4 =	vld [tilespmem:s15+$0x1069];
	[tilespmem:s8+$0xA0] =	vst v5  }
0x1db: {  	v5 =	vld [tilespmem:s11+$0xF9A];
	[tilespmem:s8+$0xB0] =	vst v6  }
0x1dc: {  	v6 =	vld [tilespmem:s11+$0xFAA];
	[tilespmem:s8+$0xC0] =	vst v7  }
0x1dd: {  	v7 =	vld [tilespmem:s11+$0xFBA];
	[tilespmem:s8+$0xD0] =	vst v2  }
0x1de: {  	v8 =	vld [tilespmem:s11+$0xFCA];
	[tilespmem:s8+$0xE0] =	vst v3  }
0x1df: {  	s3 =	sadd.s32 $0x200, s3;
	[tilespmem:s8+$0x100] =	vst v4;
	v4 =	vld [tilespmem:s11+$0xFDA]  }
0x1e0: {  	s15 =	sshra.s32 s3, $0x2;
	[tilespmem:s8+$0x110] =	vst v5;
	v9 =	vld [tilespmem:s11+$0xFEA]  }
0x1e1: {  	v10 =	vld [tilespmem:s15+$0x1000];
	[tilespmem:s8+$0x120] =	vst v6  }
.Ltmp3:
0x1e2: {  	v5 =	vld [tilespmem:s11+$0xF99];
	[tilespmem:s8+$0x130] =	vst v7;
	(pc) =	sbr.rel @p0 .LBB2_9-.Ltmp3, $4  }
0x1e3: {  	v2 =	vld [tilespmem:s11+$0xFA9];
	[tilespmem:s8+$0x140] =	vst v8  }
0x1e4: {  	v3 =	vld [tilespmem:s11+$0xFB9];
	[tilespmem:s8+$0x150] =	vst v4  }
0x1e5: {  	v4 =	vld [tilespmem:s11+$0xFC9];
	[tilespmem:s8+$0x160] =	vst v9  }
0x1e6: {  	s19 =	sadd.s32 $0x200, s19;
	[tilespmem:s8+$0x180] =	vst v10;
	v6 =	vld [tilespmem:s11+$0xFD9]  }
0x1e7: {  	[tilespmem:s8+$0x190] =	vst v5;
	v63 =	vld [tilespmem:s11+$0xFE9]  }
0x1e8: {  	[tilespmem:s8+$0x1A0] =	vst v2  }
0x1e9: {  	[tilespmem:s8+$0x1B0] =	vst v3  }
0x1ea: {  	[tilespmem:s8+$0x1C0] =	vst v4  }
0x1eb: {  	[tilespmem:s8+$0x1D0] =	vst v6  }
0x1ec: {  	[tilespmem:s8+$0x1E0] =	vst v63  }
0x1ed: {  	s1 =	rddreg [dreg:$0x6]  }
0x1ee: {  	s2 =	simm.s32 $0x3000;
	s28 =	simm.s32 $0x2;
	s1 =	sadd.s32 s10, s1  }
0x1ef: {  	[hbm4b:s1+s21] =	stream.linear.scatter [tilespmem:s2], [sflag:$0x1], $0x8000, $0x38;
	[tilespmem:$0x13000] =	vst v63  }
0x1f0: {  	_ =	swait.ge [sflag:s28], $0x8000  }
0x1f1: {  	s22 =	sld [smem:$0x7F6]  }
0x1f2: {  	s9 =	sld [smem:$0x7F7]  }
0x1f3: {  	s12 =	sadd.s32 $0x1, s12;
	s13 =	sadd.s32 $0xFFFFFFC0, s13;
	s29 =	sld [smem:$0x7F8]  }
0x1f4: {  	s31 =	sadd.s32 $0xFFFFFFF0, s31;
	s5 =	sadd.s32 $0xFFFFFFF0, s5;
	s20 =	sld [smem:$0x7F9]  }
0x1f5: {  	s14 =	sadd.s32 $0xFFFFFFF0, s14;
	s16 =	sadd.s32 $0xFFFFFFF0, s16;
	s3 =	sld [smem:$0x7FA]  }
0x1f6: {  	s17 =	sadd.s32 $0xFFFFFFF0, s17;
	s30 =	sadd.s32 $0xFFFFFFF0, s30;
	s4 =	sld [smem:$0x7FB]  }
0x1f7: {  	s18 =	sadd.s32 $0xFFFFFFC0, s18;
	p0 =	sne.s32 s12, $0x7;
	s7 =	sld [smem:$0x7FC]  }
.Ltmp4:
0x1f8: {  	[sflag:s28] =	ssyncset.done $0x0;
	s6 =	rddreg [dreg:$0x1f];
	(pc) =	sbr.rel @p0 .LBB2_6-.Ltmp4, $4  }
0x1f9: {  	s23 =	sadd.s32 $0xFFFFFFC0, s23;
	s15 =	rddreg [dreg:$0x1e];
	[sflag:s28] =	ssyncadd.s32 $0xFFFF8000  }
0x1fa: {  	s6 =	sadd.s32 $0xFFFFFFF0, s6;
	s15 =	sadd.s32 $0xFFFFFFF0, s15;
	s22 =	sadd.s32 $0xFFFFFFF0, s22  }
0x1fb: {  	s9 =	sadd.s32 $0xFFFFFFF0, s9;
	s2 =	sadd.s32 $0xFFFFFFF0, s29;
	s20 =	sadd.s32 $0xFFFFFFF0, s20  }
0x1fc: {  	s3 =	sadd.s32 $0xFFFFFFF0, s3;
	s4 =	sadd.s32 $0xFFFFFFF0, s4;
	s7 =	sadd.s32 $0xFFFFFFF0, s7  }
0x1fd: {  	s3 =	rddreg [dreg:$0x1b]  }
0x1fe: {  	v2 =	vld [tilespmem:s3+$0x0]  }
0x1ff: {  	v3 =	vld [tilespmem:s3+$0xFFFFFFA0]  }
0x200: {  	v4 =	vld [tilespmem:s3+$0xFFFFFFB0]  }
0x201: {  	v5 =	vld [tilespmem:s3+$0xFFFFFFC0]  }
0x202: {  	s1 =	simm.s32 $0xB200;
	v6 =	vld [tilespmem:s3+$0xFFFFFFD0]  }
0x203: {  	v7 =	vld [tilespmem:s3+$0xFFFFFFE0];
	[tilespmem:s1+$0xFFFFFE70] =	vst v2  }
0x204: {  	[tilespmem:s1+$0xFFFFFE10] =	vst v3;
	v3 =	vld [tilespmem:s3+$0xFFFFFFF0]  }
0x205: {  	[tilespmem:s1+$0xFFFFFE20] =	vst v4;
	v4 =	vld [tilespmem:s3+$0xFFFFFF90]  }
0x206: {  	[tilespmem:s1+$0xFFFFFE30] =	vst v5;
	v2 =	vld [tilespmem:s3+$0xFFFFFFFF]  }
0x207: {  	[tilespmem:s1+$0xFFFFFE40] =	vst v6;
	v5 =	vld [tilespmem:s3+$0xFFFFFF9F]  }
0x208: {  	[tilespmem:s1+$0xFFFFFE50] =	vst v7;
	v6 =	vld [tilespmem:s3+$0xFFFFFFAF]  }
0x209: {  	v7 =	vld [tilespmem:s3+$0xFFFFFFBF];
	[tilespmem:s1+$0xFFFFFE60] =	vst v3  }
0x20a: {  	[tilespmem:s1+$0xFFFFFE00] =	vst v4;
	v3 =	vld [tilespmem:s3+$0xFFFFFFCF]  }
0x20b: {  	[tilespmem:s1+$0xFFFFFEF0] =	vst v2;
	v4 =	vld [tilespmem:s3+$0xFFFFFF8F]  }
0x20c: {  	[tilespmem:s1+$0xFFFFFE90] =	vst v5;
	v5 =	vld [tilespmem:s3+$0xFFFFFFDF]  }
0x20d: {  	[tilespmem:s1+$0xFFFFFEA0] =	vst v6;
	v2 =	vld [tilespmem:s3+$0xFFFFFFFE]  }
0x20e: {  	[tilespmem:s1+$0xFFFFFEB0] =	vst v7;
	v6 =	vld [tilespmem:s3+$0xFFFFFFEF]  }
0x20f: {  	v7 =	vld [tilespmem:s3+$0xFFFFFF9E];
	[tilespmem:s1+$0xFFFFFEC0] =	vst v3  }
0x210: {  	v3 =	vld [tilespmem:s3+$0xFFFFFFAE];
	[tilespmem:s1+$0xFFFFFE80] =	vst v4  }
0x211: {  	[tilespmem:s1+$0xFFFFFED0] =	vst v5;
	v5 =	vld [tilespmem:s3+$0xFFFFFFBE]  }
0x212: {  	[tilespmem:s1+$0xFFFFFF70] =	vst v2;
	v4 =	vld [tilespmem:s3+$0xFFFFFF8E]  }
0x213: {  	[tilespmem:s1+$0xFFFFFEE0] =	vst v6;
	v2 =	vld [tilespmem:s3+$0xFFFFFFFD]  }
0x214: {  	v6 =	vld [tilespmem:s3+$0xFFFFFFCE];
	[tilespmem:s1+$0xFFFFFF10] =	vst v7  }
0x215: {  	v7 =	vld [tilespmem:s3+$0xFFFFFFDE];
	[tilespmem:s1+$0xFFFFFF20] =	vst v3  }
0x216: {  	v3 =	vld [tilespmem:s3+$0xFFFFFFEE];
	[tilespmem:s1+$0xFFFFFF30] =	vst v5  }
0x217: {  	v5 =	vld [tilespmem:s3+$0xFFFFFF9D];
	[tilespmem:s1+$0xFFFFFF00] =	vst v4  }
0x218: {  	[tilespmem:s1+$0xFFFFFFF0] =	vst v2;
	v4 =	vld [tilespmem:s3+$0xFFFFFF8D]  }
0x219: {  	[tilespmem:s1+$0xFFFFFF40] =	vst v6;
	v2 =	vld [tilespmem:s3+$0xFFFFFFFC]  }
0x21a: {  	v6 =	vld [tilespmem:s3+$0xFFFFFFAD];
	[tilespmem:s1+$0xFFFFFF50] =	vst v7  }
0x21b: {  	v7 =	vld [tilespmem:s3+$0xFFFFFFBD];
	[tilespmem:s1+$0xFFFFFF60] =	vst v3  }
0x21c: {  	v3 =	vld [tilespmem:s3+$0xFFFFFFCD];
	[tilespmem:s1+$0xFFFFFF90] =	vst v5  }
0x21d: {  	v5 =	vld [tilespmem:s3+$0xFFFFFFED];
	[tilespmem:s1+$0xFFFFFF80] =	vst v4  }
0x21e: {  	v4 =	vld [tilespmem:s3+$0xFFFFFFDD];
	[tilespmem:s1+$0x70] =	vst v2  }
0x21f: {  	[tilespmem:s1+$0xFFFFFFA0] =	vst v6;
	v2 =	vld [tilespmem:s3+$0xFFFFFFFB]  }
0x220: {  	[tilespmem:s1+$0xFFFFFFB0] =	vst v7;
	v7 =	vld [tilespmem:s3+$0xFFFFFF9C]  }
0x221: {  	v6 =	vld [tilespmem:s3+$0xFFFFFF8C];
	[tilespmem:s1+$0xFFFFFFC0] =	vst v3  }
0x222: {  	v3 =	vld [tilespmem:s3+$0xFFFFFFAC];
	[tilespmem:s1+$0xFFFFFFE0] =	vst v5  }
0x223: {  	v5 =	vld [tilespmem:s3+$0xFFFFFFCC];
	[tilespmem:s1+$0xFFFFFFD0] =	vst v4  }
0x224: {  	v4 =	vld [tilespmem:s3+$0xFFFFFFBC];
	[tilespmem:s1+$0xF0] =	vst v2  }
0x225: {  	[tilespmem:s1+$0x10] =	vst v7;
	v2 =	vld [tilespmem:s3+$0xFFFFFFFA]  }
0x226: {  	v7 =	vld [tilespmem:s3+$0xFFFFFFEC];
	[tilespmem:s1+$0x0] =	vst v6  }
0x227: {  	v6 =	vld [tilespmem:s3+$0xFFFFFFDC];
	[tilespmem:s1+$0x20] =	vst v3  }
0x228: {  	v3 =	vld [tilespmem:s3+$0xFFFFFF8B];
	[tilespmem:s1+$0x40] =	vst v5  }
0x229: {  	[tilespmem:s1+$0x30] =	vst v4;
	v4 =	vld [tilespmem:s3+$0xFFFFFF9B]  }
0x22a: {  	v5 =	vld [tilespmem:s3+$0xFFFFFFAB];
	[tilespmem:s1+$0x170] =	vst v2  }
0x22b: {  	[tilespmem:s1+$0x60] =	vst v7;
	v2 =	vld [tilespmem:s3+$0xFFFFFFF9]  }
0x22c: {  	v7 =	vld [tilespmem:s3+$0xFFFFFFCB];
	[tilespmem:s1+$0x50] =	vst v6  }
0x22d: {  	v6 =	vld [tilespmem:s3+$0xFFFFFFBB];
	[tilespmem:s1+$0x80] =	vst v3  }
0x22e: {  	v3 =	vld [tilespmem:s3+$0xFFFFFFEB];
	[tilespmem:s1+$0x90] =	vst v4  }
0x22f: {  	[tilespmem:s1+$0xA0] =	vst v5;
	v5 =	vld [tilespmem:s3+$0xFFFFFF9A]  }
0x230: {  	[tilespmem:s1+$0x1F0] =	vst v2;
	v2 =	vld [tilespmem:s3+$0xFFFFFFDB]  }
0x231: {  	[tilespmem:s1+$0xC0] =	vst v7;
	v4 =	vld [tilespmem:s3+$0xFFFFFF8A]  }
0x232: {  	v8 =	vld [tilespmem:s3+$0xFFFFFFCA];
	[tilespmem:s1+$0xB0] =	vst v6  }
0x233: {  	v6 =	vld [tilespmem:s3+$0xFFFFFFAA];
	[tilespmem:s1+$0xE0] =	vst v3  }
0x234: {  	v7 =	vld [tilespmem:s3+$0xFFFFFFBA];
	[tilespmem:s1+$0x110] =	vst v5  }
0x235: {  	v5 =	vld [tilespmem:s3+$0xFFFFFFEA];
	[tilespmem:s1+$0xD0] =	vst v2  }
0x236: {  	[tilespmem:s1+$0x100] =	vst v4;
	v4 =	vld [tilespmem:s3+$0xFFFFFFDA]  }
0x237: {  	[tilespmem:s1+$0x140] =	vst v8;
	v9 =	vld [tilespmem:s3+$0xFFFFFF89]  }
0x238: {  	[tilespmem:s1+$0x120] =	vst v6;
	v6 =	vld [tilespmem:s3+$0xFFFFFF99]  }
0x239: {  	[tilespmem:s1+$0x130] =	vst v7;
	v2 =	vld [tilespmem:s3+$0xFFFFFFA9]  }
0x23a: {  	v3 =	vld [tilespmem:s3+$0xFFFFFFB9];
	[tilespmem:s1+$0x160] =	vst v5  }
0x23b: {  	[tilespmem:s1+$0x150] =	vst v4;
	v4 =	vld [tilespmem:s3+$0xFFFFFFC9]  }
0x23c: {  	[tilespmem:s1+$0x180] =	vst v9;
	v5 =	vld [tilespmem:s3+$0xFFFFFFD9]  }
0x23d: {  	s2 =	simm.s32 $0x0;
	[tilespmem:s1+$0x190] =	vst v6;
	v6 =	vld [tilespmem:s3+$0xFFFFFFE9];
	s3 =	sadd.s32 $0x80, s3  }
.LBB2_12:
0x23e: {  	v7 =	vld [tilespmem:s3+$0x0];
	s2 =	sadd.s32 $0x80, s2;
	[tilespmem:s1+$0x1A0] =	vst v2  }
0x23f: {  	v2 =	vld [tilespmem:s3+$0xFFFFFFA0];
	p0 =	slt.u32 s2, $0xF80;
	[tilespmem:s1+$0x1B0] =	vst v3  }
0x240: {  	v3 =	vld [tilespmem:s3+$0xFFFFFFB0];
	[tilespmem:s1+$0x1C0] =	vst v4  }
0x241: {  	v4 =	vld [tilespmem:s3+$0xFFFFFFC0];
	[tilespmem:s1+$0x1D0] =	vst v5  }
0x242: {  	v5 =	vld [tilespmem:s3+$0xFFFFFFD0];
	[tilespmem:s1+$0x1E0] =	vst v6;
	s1 =	sadd.s32 $0x400, s1  }
0x243: {  	v6 =	vld [tilespmem:s3+$0xFFFFFFE0];
	[tilespmem:s1+$0xFFFFFE70] =	vst v7  }
0x244: {  	[tilespmem:s1+$0xFFFFFE10] =	vst v2;
	v2 =	vld [tilespmem:s3+$0xFFFFFFFF]  }
0x245: {  	[tilespmem:s1+$0xFFFFFE20] =	vst v3;
	v3 =	vld [tilespmem:s3+$0xFFFFFFF0]  }
0x246: {  	v7 =	vld [tilespmem:s3+$0xFFFFFF90];
	[tilespmem:s1+$0xFFFFFE30] =	vst v4  }
0x247: {  	v4 =	vld [tilespmem:s3+$0xFFFFFF9F];
	[tilespmem:s1+$0xFFFFFE40] =	vst v5  }
0x248: {  	v5 =	vld [tilespmem:s3+$0xFFFFFFAF];
	[tilespmem:s1+$0xFFFFFE50] =	vst v6  }
0x249: {  	v6 =	vld [tilespmem:s3+$0xFFFFFFBF];
	[tilespmem:s1+$0xFFFFFEF0] =	vst v2  }
0x24a: {  	[tilespmem:s1+$0xFFFFFE60] =	vst v3;
	v2 =	vld [tilespmem:s3+$0xFFFFFFFE]  }
0x24b: {  	[tilespmem:s1+$0xFFFFFE00] =	vst v7;
	v3 =	vld [tilespmem:s3+$0xFFFFFFCF]  }
0x24c: {  	v7 =	vld [tilespmem:s3+$0xFFFFFF8F];
	[tilespmem:s1+$0xFFFFFE90] =	vst v4  }
0x24d: {  	[tilespmem:s1+$0xFFFFFEA0] =	vst v5;
	v4 =	vld [tilespmem:s3+$0xFFFFFFDF]  }
0x24e: {  	[tilespmem:s1+$0xFFFFFEB0] =	vst v6;
	v5 =	vld [tilespmem:s3+$0xFFFFFFEF]  }
0x24f: {  	v6 =	vld [tilespmem:s3+$0xFFFFFF9E];
	[tilespmem:s1+$0xFFFFFF70] =	vst v2  }
0x250: {  	[tilespmem:s1+$0xFFFFFEC0] =	vst v3;
	v2 =	vld [tilespmem:s3+$0xFFFFFFFD]  }
0x251: {  	[tilespmem:s1+$0xFFFFFE80] =	vst v7;
	v3 =	vld [tilespmem:s3+$0xFFFFFFAE]  }
0x252: {  	v7 =	vld [tilespmem:s3+$0xFFFFFF8E];
	[tilespmem:s1+$0xFFFFFED0] =	vst v4  }
0x253: {  	v4 =	vld [tilespmem:s3+$0xFFFFFFBE];
	[tilespmem:s1+$0xFFFFFEE0] =	vst v5  }
0x254: {  	[tilespmem:s1+$0xFFFFFF10] =	vst v6;
	v5 =	vld [tilespmem:s3+$0xFFFFFFCE]  }
0x255: {  	v6 =	vld [tilespmem:s3+$0xFFFFFFDE];
	[tilespmem:s1+$0xFFFFFFF0] =	vst v2  }
0x256: {  	[tilespmem:s1+$0xFFFFFF20] =	vst v3;
	v2 =	vld [tilespmem:s3+$0xFFFFFFFC]  }
0x257: {  	[tilespmem:s1+$0xFFFFFF00] =	vst v7;
	v3 =	vld [tilespmem:s3+$0xFFFFFFEE]  }
0x258: {  	v7 =	vld [tilespmem:s3+$0xFFFFFF8D];
	[tilespmem:s1+$0xFFFFFF30] =	vst v4  }
0x259: {  	v4 =	vld [tilespmem:s3+$0xFFFFFF9D];
	[tilespmem:s1+$0xFFFFFF40] =	vst v5  }
0x25a: {  	v5 =	vld [tilespmem:s3+$0xFFFFFFAD];
	[tilespmem:s1+$0xFFFFFF50] =	vst v6  }
0x25b: {  	v6 =	vld [tilespmem:s3+$0xFFFFFFBD];
	[tilespmem:s1+$0x70] =	vst v2  }
0x25c: {  	[tilespmem:s1+$0xFFFFFF60] =	vst v3;
	v2 =	vld [tilespmem:s3+$0xFFFFFFFB]  }
0x25d: {  	[tilespmem:s1+$0xFFFFFF80] =	vst v7;
	v3 =	vld [tilespmem:s3+$0xFFFFFFCD]  }
0x25e: {  	[tilespmem:s1+$0xFFFFFF90] =	vst v4;
	v4 =	vld [tilespmem:s3+$0xFFFFFFDD]  }
0x25f: {  	[tilespmem:s1+$0xFFFFFFA0] =	vst v5;
	v5 =	vld [tilespmem:s3+$0xFFFFFFED]  }
0x260: {  	v7 =	vld [tilespmem:s3+$0xFFFFFF8C];
	[tilespmem:s1+$0xFFFFFFB0] =	vst v6  }
0x261: {  	v6 =	vld [tilespmem:s3+$0xFFFFFF9C];
	[tilespmem:s1+$0xF0] =	vst v2  }
0x262: {  	[tilespmem:s1+$0xFFFFFFC0] =	vst v3;
	v2 =	vld [tilespmem:s3+$0xFFFFFFFA]  }
0x263: {  	v3 =	vld [tilespmem:s3+$0xFFFFFFAC];
	[tilespmem:s1+$0xFFFFFFD0] =	vst v4  }
0x264: {  	v4 =	vld [tilespmem:s3+$0xFFFFFFBC];
	[tilespmem:s1+$0xFFFFFFE0] =	vst v5  }
0x265: {  	[tilespmem:s1+$0x0] =	vst v7;
	v5 =	vld [tilespmem:s3+$0xFFFFFFCC]  }
0x266: {  	[tilespmem:s1+$0x10] =	vst v6;
	v6 =	vld [tilespmem:s3+$0xFFFFFFDC]  }
0x267: {  	v7 =	vld [tilespmem:s3+$0xFFFFFFEC];
	[tilespmem:s1+$0x170] =	vst v2  }
0x268: {  	[tilespmem:s1+$0x20] =	vst v3;
	v2 =	vld [tilespmem:s3+$0xFFFFFFF9]  }
0x269: {  	v3 =	vld [tilespmem:s3+$0xFFFFFF8B];
	[tilespmem:s1+$0x30] =	vst v4  }
0x26a: {  	v4 =	vld [tilespmem:s3+$0xFFFFFF9B];
	[tilespmem:s1+$0x40] =	vst v5  }
0x26b: {  	v5 =	vld [tilespmem:s3+$0xFFFFFFAB];
	[tilespmem:s1+$0x50] =	vst v6  }
0x26c: {  	v6 =	vld [tilespmem:s3+$0xFFFFFFBB];
	[tilespmem:s1+$0x60] =	vst v7  }
0x26d: {  	v7 =	vld [tilespmem:s3+$0xFFFFFFCB];
	[tilespmem:s1+$0x1F0] =	vst v2  }
0x26e: {  	[tilespmem:s1+$0x80] =	vst v3;
	v2 =	vld [tilespmem:s3+$0xFFFFFFDB]  }
0x26f: {  	[tilespmem:s1+$0x90] =	vst v4;
	v3 =	vld [tilespmem:s3+$0xFFFFFFEB]  }
0x270: {  	v4 =	vld [tilespmem:s3+$0xFFFFFF8A];
	[tilespmem:s1+$0xA0] =	vst v5  }
0x271: {  	v5 =	vld [tilespmem:s3+$0xFFFFFF9A];
	[tilespmem:s1+$0xB0] =	vst v6  }
0x272: {  	v6 =	vld [tilespmem:s3+$0xFFFFFFAA];
	[tilespmem:s1+$0xC0] =	vst v7  }
0x273: {  	v7 =	vld [tilespmem:s3+$0xFFFFFFBA];
	[tilespmem:s1+$0xD0] =	vst v2  }
0x274: {  	v8 =	vld [tilespmem:s3+$0xFFFFFFCA];
	[tilespmem:s1+$0xE0] =	vst v3  }
0x275: {  	[tilespmem:s1+$0x100] =	vst v4;
	v4 =	vld [tilespmem:s3+$0xFFFFFFDA]  }
0x276: {  	[tilespmem:s1+$0x110] =	vst v5;
	v5 =	vld [tilespmem:s3+$0xFFFFFFEA]  }
0x277: {  	v9 =	vld [tilespmem:s3+$0xFFFFFF89];
	[tilespmem:s1+$0x120] =	vst v6  }
0x278: {  	v6 =	vld [tilespmem:s3+$0xFFFFFF99];
	[tilespmem:s1+$0x130] =	vst v7  }
.Ltmp5:
0x279: {  	v2 =	vld [tilespmem:s3+$0xFFFFFFA9];
	[tilespmem:s1+$0x140] =	vst v8;
	(pc) =	sbr.rel @p0 .LBB2_12-.Ltmp5, $4  }
0x27a: {  	v3 =	vld [tilespmem:s3+$0xFFFFFFB9];
	[tilespmem:s1+$0x150] =	vst v4  }
0x27b: {  	v4 =	vld [tilespmem:s3+$0xFFFFFFC9];
	[tilespmem:s1+$0x160] =	vst v5  }
0x27c: {  	[tilespmem:s1+$0x180] =	vst v9;
	v5 =	vld [tilespmem:s3+$0xFFFFFFD9]  }
0x27d: {  	[tilespmem:s1+$0x190] =	vst v6;
	v6 =	vld [tilespmem:s3+$0xFFFFFFE9];
	s3 =	sadd.s32 $0x80, s3  }
0x27e: {  	[tilespmem:s1+$0x1A0] =	vst v2  }
0x27f: {  	[tilespmem:s1+$0x1B0] =	vst v3  }
0x280: {  	[tilespmem:s1+$0x1C0] =	vst v4  }
0x281: {  	[tilespmem:s1+$0x1D0] =	vst v5  }
0x282: {  	[tilespmem:s1+$0x1E0] =	vst v6  }
0x283: {  	s2 =	simm.s32 $0xB000;
	s29 =	simm.s32 $0x1;
	s1 =	rddreg [dreg:$0x1c]  }
0x284: {  	[hbm4b:s1+s21] =	stream.linear.scatter [tilespmem:s2], [sflag:$0x2], $0x8000, $0x38;
	[tilespmem:$0x13000] =	vst v63  }
0x285: {  	_ =	swait.ge [sflag:s29], $0x8000  }
0x286: {  	[sflag:s29] =	ssyncset.done $0x0  }
0x287: {  	s30 =	simm.s32 $0x2;
	[sflag:s29] =	ssyncadd.s32 $0xFFFF8000  }
0x288: {  	_ =	swait.ge [sflag:s30], $0x8000  }
0x289: {  	s3 =	rddreg [dreg:$0x1d]  }
0x28a: {  	s31 =	rddreg [dreg:$0x7];
	s3 =	sadd.s32 $0x1, s3  }
0x28b: {  	p0 =	sne.s32 s3, s31  }
.Ltmp6:
0x28c: {  	_ = 	snop;
	(pc) =	sbr.rel @p0 .LBB2_1-.Ltmp6, $3  }
0x28d: {  	_ =	sdelay $0x1  }
0x28e: {  	[sflag:s30] =	ssyncset.done $0x0  }
0x28f: {  	[sflag:s30] =	ssyncadd.s32 $0xFFFF8000  }
0x290: {  	_ =	sfence.sel $0x180000  }
0x291: {  	[bflag:$0x0] =	sbarrier.arrive $0xFFFF  }
0x292: {  	_ =	strace $0x90000047  }
0x293: {  	s0 =	stileid.u32;
	[bflag:$0x2] =	sbarrier.arrive $0xFFFF  }
0x294: {  	p0 =	sne.s32 s0, $0x0;
	s0 =	rddreg [dreg:$0x2]  }
0x295: {  	s0 =	sadd.s32 @!p0 $0x100000, s0  }
0x296: {  	[sflag:s0] =	ssyncadd.tile.s32 @!p0 $0x1;
	_ =	shalt  }
.Lfunc_end2:
_tile_overlayer_lowered:
.L_overlay_start_2:
0x297: {  	(tag) =	ssettag $0x2  }
0x298: {  	s0 =	rddreg [dreg:$0x0];
	s2 =	stileid.u32  }
0x299: {  	s1 =	rddreg [dreg:$0x1];
	p0 =	sne.s32 s2, $0x0  }
0x29a: {  	s3 =	rddreg [dreg:$0x2];
	[bflag:$0x3] =	sbarrier.arrive $0xFFFF;
	s2 =	simm.s32 @!p0 $0x1C03  }
0x29b: {  	[timem:s3], [sflag:s2] =	dma.local @!p0 [hbm:s0], s1  }
0x29c: {  	s0 =	simm.s32 @!p0 $0x3  }
0x29d: {  	_ =	swait.ge @!p0 [sflag:s0], s1  }
0x29e: {  	s1 =	ssub.s32 @!p0 $0x0, s1;
	[sflag:s0] =	ssyncset.done @!p0 $0x0  }
0x29f: {  	[sflag:s0] =	ssyncadd.s32 @!p0 s1  }
0x2a0: {  	[bflag:$0x3] =	sbarrier.arrive $0xFFFF  }
0x2a1: {  	_ =	shalt  }

</sc_bundles>
